<compile_context>
chip_gen: v7x
topology: tpu7x:2x2x1
jax: 0.10.2.dev20260603
libtpu: 0.0.44.dev20260713+nightly
codegen_flags: <defaults>
</compile_context>

<pallas_src>
import functools

import jax
import jax.numpy as jnp
from jax import lax
from jax.experimental import pallas as pl
from jax.experimental.pallas import tpu as pltpu
from jax.experimental.pallas import tpu_sc as plsc

_NC = 2
_NS = 16
_NW = _NC * _NS
_CHUNK = 128
_LANES = 16
_RC = 6
_GW = 1
_SB = 25


@functools.partial(jax.jit, static_argnums=(3, 4, 5, 6))
def _gather_add(ids_flat, table, pos, N, V, D, S):
    rows_per_w = N // _NW
    chunks = rows_per_w // _CHUNK
    n_sb = chunks // _SB
    assert chunks % _GW == 0 and chunks % _SB == 0 and _RC % _GW == 0
    sb_words = _SB * _CHUNK

    mesh = plsc.VectorSubcoreMesh(
        core_axis_name="c", subcore_axis_name="s",
        num_cores=_NC, num_subcores=_NS)

    @functools.partial(
        pl.kernel,
        out_type=jax.ShapeDtypeStruct((N, D), jnp.float32),
        mesh=mesh,
        scratch_types=[
            pltpu.VMEM((2 * sb_words,), jnp.int32),
            pltpu.VMEM((_RC * _CHUNK, D), jnp.float32),
            pltpu.VMEM((S, D), jnp.float32),
            pltpu.SemaphoreType.DMA,
            pltpu.SemaphoreType.DMA,
            pltpu.SemaphoreType.DMA,
        ],
    )
    def k(ids_hbm, table_hbm, pos_hbm, out_hbm,
          idx_v, ring, pos_v, gsem, osem, isem):
        wid = lax.axis_index("s") * _NC + lax.axis_index("c")
        base = wid * rows_per_w

        def idx_src(sb):
            return ids_hbm.at[pl.ds(base + sb * sb_words, sb_words)]

        def idx_dst(sb):
            return idx_v.at[pl.ds(lax.rem(sb, 2) * sb_words, sb_words)]

        def fire_idx(sb):
            pltpu.async_copy(idx_src(sb), idx_dst(sb), isem)

        def wait_idx(sb):
            pltpu.make_async_copy(idx_src(sb), idx_dst(sb), isem).wait()

        def gather_refs(c):
            sb_off = lax.rem(c // _SB, 2) * sb_words + lax.rem(c, _SB) * _CHUNK
            slot = lax.rem(c, _RC)
            return (table_hbm.at[idx_v.at[pl.ds(sb_off, _CHUNK)]],
                    ring.at[pl.ds(slot * _CHUNK, _CHUNK)])

        def fire_gather(c):
            src, dst = gather_refs(c)
            pltpu.async_copy(src, dst, gsem)

        def wait_gather(c):
            src, dst = gather_refs(c)
            pltpu.make_async_copy(src, dst, gsem).wait()

        def out_refs(c_hi):
            slot0 = lax.rem(c_hi - (_GW - 1), _RC)
            return (ring.at[pl.ds(slot0 * _CHUNK, _GW * _CHUNK)],
                    out_hbm.at[pl.ds(base + (c_hi - (_GW - 1)) * _CHUNK,
                                     _GW * _CHUNK)])

        def fire_out(c_hi):
            src, dst = out_refs(c_hi)
            pltpu.async_copy(src, dst, osem)

        def wait_out(c_hi):
            src, dst = out_refs(c_hi)
            pltpu.make_async_copy(src, dst, osem).wait()

        def add_pos(c):
            start = lax.rem(c * _CHUNK, S)
            n1 = jnp.minimum(_CHUNK, S - start)
            row0 = lax.rem(c, _RC) * _CHUNK

            @plsc.parallel_loop(0, n1, step=1, unroll=4)
            def row_body(i):
                for dg in range(D // _LANES):
                    sl = pl.ds(dg * _LANES, _LANES)
                    plsc.addupdate(ring.at[row0 + i, sl], pos_v[start + i, sl])

            @plsc.parallel_loop(n1, _CHUNK, step=1, unroll=4)
            def row_body_wrap(i):
                for dg in range(D // _LANES):
                    sl = pl.ds(dg * _LANES, _LANES)
                    plsc.addupdate(ring.at[row0 + i, sl],
                                   pos_v[start + i - S, sl])

        pltpu.sync_copy(pos_hbm, pos_v)
        pltpu.sync_copy(idx_src(0), idx_dst(0))
        fire_idx(1)
        fire_gather(0)
        fire_gather(1)
        fire_gather(2)

        def body(c, carry):
            wait_gather(c)
            cn = c + 3

            @pl.when(cn < chunks)
            def _fire_next():
                @pl.when(jnp.logical_and(lax.rem(cn - _RC, _GW) == 0,
                                         cn >= _RC))
                def _drain():
                    wait_out(cn - _RC + _GW - 1)

                @pl.when(lax.rem(cn, _SB) == 0)
                def _idx():
                    sb = cn // _SB
                    wait_idx(sb)

                    @pl.when(sb + 1 < n_sb)
                    def _prefetch():
                        fire_idx(sb + 1)

                fire_gather(cn)

            add_pos(c)

            @pl.when(lax.rem(c, _GW) == _GW - 1)
            def _fire_out():
                fire_out(c)

            return carry

        lax.fori_loop(0, chunks, body, 0)

        for c_hi in range(chunks - _RC + _GW - 1, chunks, _GW):
            wait_out(c_hi)

    return k(ids_flat, table, pos)


def kernel(input_ids, attention_mask, embedding_weight, pos_weight):
    B, S = input_ids.shape
    V, D = embedding_weight.shape
    N = B * S
    ids_flat = input_ids.reshape(N).astype(jnp.int32)
    out = _gather_add(ids_flat, embedding_weight, pos_weight, N, V, D, S)
    return out.reshape(B, S, D), attention_mask

# --- scband reference (transcript-rebuilt; emitter-appended) ---
"""Pipeline reference for scband-embedding-with-pos-layer-15401752723488 (READ-ONLY COPY).

The authoritative reference and input builder live on the scoring server;
editing this copy changes nothing except your own understanding.
"""

import jax, jax.numpy as jnp
import numpy as np

VOCAB = 100000
EMBED_DIM = 128
MAX_LEN = 200
BATCH = 4096
SEQ = 200

def setup_inputs(seed: int = 0) -> dict:
    key = jax.random.key(seed)
    k1, k2, k3 = jax.random.split(key, 3)
    input_ids = jax.random.randint(k1, (BATCH, SEQ), 0, VOCAB, dtype=jnp.int64) if jax.config.read('jax_enable_x64') else jax.random.randint(k1, (BATCH, SEQ), 0, VOCAB, dtype=jnp.int32)
    attention_mask = jnp.ones((BATCH, SEQ), dtype=input_ids.dtype)
    embedding_weight = jax.random.normal(k2, (VOCAB, EMBED_DIM), dtype=jnp.float32)
    pos_weight = jax.random.normal(k3, (MAX_LEN, EMBED_DIM), dtype=jnp.float32)
    return {"input_ids": input_ids, "attention_mask": attention_mask, "embedding_weight": embedding_weight, "pos_weight": pos_weight}

def reference(input_ids, attention_mask, embedding_weight, pos_weight):
    # token embedding lookup (gather)
    embedded = jnp.take(embedding_weight, input_ids, axis=0)  # [B, S, D]
    # positional embedding lookup
    positions = jnp.arange(input_ids.shape[1])[None, :]  # [1, S]
    pos_emb = jnp.take(pos_weight, positions, axis=0)  # [1, S, D]
    pos_embedded = embedded + pos_emb
    return (pos_embedded, attention_mask)

if False:  # reference __main__ guard neutralized (emitter)
    inp = setup_inputs()
    out = reference(**inp)
    print(out[0].shape, out[1].shape)

if __name__ == "__main__":
    import jax
    _d = setup_inputs()
    print(jax.jit(kernel)(*tuple(_d.values())))

</pallas_src>

<mosaic_0001>
#map = affine_map<(d0, d1) -> (0)>
#map1 = affine_map<(d0, d1) -> (0, 0)>
module attributes {stable_mosaic.version = 14 : i64} {
  func.func @k(%arg0: i32, %arg1: i32, %arg2: memref<819200xi32, #tpu.memory_space<hbm>>, %arg3: memref<100000x128xf32, #tpu.memory_space<hbm>>, %arg4: memref<200x128xf32, #tpu.memory_space<hbm>>, %arg5: memref<819200x128xf32, #tpu.memory_space<hbm>>, %arg6: memref<6400xi32, #tpu.memory_space<vmem>>, %arg7: memref<768x128xf32, #tpu.memory_space<vmem>>, %arg8: memref<200x128xf32, #tpu.memory_space<vmem>>, %arg9: memref<!tpu.dma_semaphore, #tpu.memory_space<semaphore_mem>>, %arg10: memref<!tpu.dma_semaphore, #tpu.memory_space<semaphore_mem>>, %arg11: memref<!tpu.dma_semaphore, #tpu.memory_space<semaphore_mem>>) attributes {dimension_semantics = [#tpu.dimension_semantics<core_parallel>, #tpu.dimension_semantics<subcore_parallel>], iteration_bounds = array<i64: 2, 16>, scalar_prefetch = 0 : i64, scratch_operands = 6 : i64, tpu.core_type = #tpu.core_type<sc_vector_subcore>, window_params = [{transform_indices = #map}, {transform_indices = #map1}, {transform_indices = #map1}, {transform_indices = #map1}]} {
    %mul3A = arith.constant 2 : i32
    %mul3A_0 = arith.muli %arg1, %mul3A : i32
    %add3A = arith.addi %mul3A_0, %arg0 : i32
    %mul3A_1 = arith.constant 25600 : i32
    %mul3A_2 = arith.muli %add3A, %mul3A_1 : i32
    "tpu.region"() ({
      %run_scoped3A = tpu.sem_alloc : memref<!tpu.dma_semaphore, #tpu.memory_space<semaphore_mem>>
      tpu.enqueue_dma source(%arg4 : memref<200x128xf32, #tpu.memory_space<hbm>>) target(%arg8 : memref<200x128xf32, #tpu.memory_space<vmem>>) target_semaphore(%run_scoped3A : memref<!tpu.dma_semaphore, #tpu.memory_space<semaphore_mem>>)
      tpu.wait_dma2 semaphore(%run_scoped3A : memref<!tpu.dma_semaphore, #tpu.memory_space<semaphore_mem>>) src(%arg4 : memref<200x128xf32, #tpu.memory_space<hbm>>) dst(%arg8 : memref<200x128xf32, #tpu.memory_space<vmem>>)
      tpu.yield
    }) : () -> ()
    %add3A_3 = arith.constant 0 : i32
    %add3A_4 = arith.addi %mul3A_2, %add3A_3 : i32
    %rem3A = arith.constant 0 : i32
    %rem3A_5 = arith.constant 2 : i32
    %rem3A_6 = arith.remsi %rem3A, %rem3A_5 : i32
    %mul3A_7 = arith.constant 3200 : i32
    %mul3A_8 = arith.muli %rem3A_6, %mul3A_7 : i32
    "tpu.region"() ({
      %run_scoped3A = tpu.sem_alloc : memref<!tpu.dma_semaphore, #tpu.memory_space<semaphore_mem>>
      %dma_start3A_179 = tpu.memref_slice %arg6[%mul3A_8] : memref<6400xi32, #tpu.memory_space<vmem>> -> memref<3200xi32, #tpu.memory_space<vmem>>
      %dma_start3A_180 = tpu.memref_slice %arg2[%add3A_4] : memref<819200xi32, #tpu.memory_space<hbm>> -> memref<3200xi32, #tpu.memory_space<hbm>>
      %dma_start3A_181 = tpu.memref_slice %arg6[%mul3A_8] : memref<6400xi32, #tpu.memory_space<vmem>> -> memref<3200xi32, #tpu.memory_space<vmem>>
      %dma_start3A_182 = tpu.memref_slice %arg2[%add3A_4] : memref<819200xi32, #tpu.memory_space<hbm>> -> memref<3200xi32, #tpu.memory_space<hbm>>
      tpu.enqueue_dma source(%dma_start3A_182 : memref<3200xi32, #tpu.memory_space<hbm>>) target(%dma_start3A_181 : memref<3200xi32, #tpu.memory_space<vmem>>) target_semaphore(%run_scoped3A : memref<!tpu.dma_semaphore, #tpu.memory_space<semaphore_mem>>)
      %dma_wait3A_183 = tpu.memref_slice %arg6[%mul3A_8] : memref<6400xi32, #tpu.memory_space<vmem>> -> memref<3200xi32, #tpu.memory_space<vmem>>
      %dma_wait3A_184 = tpu.memref_slice %arg2[%add3A_4] : memref<819200xi32, #tpu.memory_space<hbm>> -> memref<3200xi32, #tpu.memory_space<hbm>>
      %dma_wait3A_185 = tpu.memref_slice %arg6[%mul3A_8] : memref<6400xi32, #tpu.memory_space<vmem>> -> memref<3200xi32, #tpu.memory_space<vmem>>
      %dma_wait3A_186 = tpu.memref_slice %arg2[%add3A_4] : memref<819200xi32, #tpu.memory_space<hbm>> -> memref<3200xi32, #tpu.memory_space<hbm>>
      tpu.wait_dma2 semaphore(%run_scoped3A : memref<!tpu.dma_semaphore, #tpu.memory_space<semaphore_mem>>) src(%dma_wait3A_186 : memref<3200xi32, #tpu.memory_space<hbm>>) dst(%dma_wait3A_185 : memref<3200xi32, #tpu.memory_space<vmem>>)
      tpu.yield
    }) : () -> ()
    %add3A_9 = arith.constant 3200 : i32
    %add3A_10 = arith.addi %mul3A_2, %add3A_9 : i32
    %rem3A_11 = arith.constant 1 : i32
    %rem3A_12 = arith.constant 2 : i32
    %rem3A_13 = arith.remsi %rem3A_11, %rem3A_12 : i32
    %mul3A_14 = arith.constant 3200 : i32
    %mul3A_15 = arith.muli %rem3A_13, %mul3A_14 : i32
    %dma_start3A = tpu.memref_slice %arg6[%mul3A_15] : memref<6400xi32, #tpu.memory_space<vmem>> -> memref<3200xi32, #tpu.memory_space<vmem>>
    %dma_start3A_16 = tpu.memref_slice %arg2[%add3A_10] : memref<819200xi32, #tpu.memory_space<hbm>> -> memref<3200xi32, #tpu.memory_space<hbm>>
    %dma_start3A_17 = tpu.memref_slice %arg6[%mul3A_15] : memref<6400xi32, #tpu.memory_space<vmem>> -> memref<3200xi32, #tpu.memory_space<vmem>>
    %dma_start3A_18 = tpu.memref_slice %arg2[%add3A_10] : memref<819200xi32, #tpu.memory_space<hbm>> -> memref<3200xi32, #tpu.memory_space<hbm>>
    tpu.enqueue_dma source(%dma_start3A_18 : memref<3200xi32, #tpu.memory_space<hbm>>) target(%dma_start3A_17 : memref<3200xi32, #tpu.memory_space<vmem>>) target_semaphore(%arg11 : memref<!tpu.dma_semaphore, #tpu.memory_space<semaphore_mem>>)
    %rem3A_19 = arith.constant 0 : i32
    %rem3A_20 = arith.constant 2 : i32
    %rem3A_21 = arith.remsi %rem3A_19, %rem3A_20 : i32
    %mul3A_22 = arith.constant 3200 : i32
    %mul3A_23 = arith.muli %rem3A_21, %mul3A_22 : i32
    %rem3A_24 = arith.constant 0 : i32
    %rem3A_25 = arith.constant 25 : i32
    %rem3A_26 = arith.remsi %rem3A_24, %rem3A_25 : i32
    %mul3A_27 = arith.constant 128 : i32
    %mul3A_28 = arith.muli %rem3A_26, %mul3A_27 : i32
    %add3A_29 = arith.addi %mul3A_23, %mul3A_28 : i32
    %rem3A_30 = arith.constant 0 : i32
    %rem3A_31 = arith.constant 6 : i32
    %rem3A_32 = arith.remsi %rem3A_30, %rem3A_31 : i32
    %mul3A_33 = arith.constant 128 : i32
    %mul3A_34 = arith.muli %rem3A_32, %mul3A_33 : i32
    %dma_start3A_35 = arith.constant 0 : i32
    %dma_start3A_36 = tpu.memref_slice %arg7[%mul3A_34, %dma_start3A_35] : memref<768x128xf32, #tpu.memory_space<vmem>> -> memref<128x128xf32, #tpu.memory_space<vmem>>
    %dma_start3A_37 = tpu.memref_slice %arg6[%add3A_29] : memref<6400xi32, #tpu.memory_space<vmem>> -> memref<128xi32, #tpu.memory_space<vmem>>
    %dma_start3A_38 = arith.constant 0 : i32
    %dma_start3A_39 = arith.constant 0 : i32
    %dma_start3A_40 = tpu.memref_slice %arg3[%dma_start3A_38, %dma_start3A_39] : memref<100000x128xf32, #tpu.memory_space<hbm>> -> memref<100000x128xf32, #tpu.memory_space<hbm>>
    tpu.enqueue_indirect_dma source(%dma_start3A_40 : memref<100000x128xf32, #tpu.memory_space<hbm>>) target(%dma_start3A_36 : memref<128x128xf32, #tpu.memory_space<vmem>>) offsets(%dma_start3A_37 : memref<128xi32, #tpu.memory_space<vmem>>) semaphore(%arg9 : memref<!tpu.dma_semaphore, #tpu.memory_space<semaphore_mem>>)
    %rem3A_41 = arith.constant 0 : i32
    %rem3A_42 = arith.constant 2 : i32
    %rem3A_43 = arith.remsi %rem3A_41, %rem3A_42 : i32
    %mul3A_44 = arith.constant 3200 : i32
    %mul3A_45 = arith.muli %rem3A_43, %mul3A_44 : i32
    %rem3A_46 = arith.constant 1 : i32
    %rem3A_47 = arith.constant 25 : i32
    %rem3A_48 = arith.remsi %rem3A_46, %rem3A_47 : i32
    %mul3A_49 = arith.constant 128 : i32
    %mul3A_50 = arith.muli %rem3A_48, %mul3A_49 : i32
    %add3A_51 = arith.addi %mul3A_45, %mul3A_50 : i32
    %rem3A_52 = arith.constant 1 : i32
    %rem3A_53 = arith.constant 6 : i32
    %rem3A_54 = arith.remsi %rem3A_52, %rem3A_53 : i32
    %mul3A_55 = arith.constant 128 : i32
    %mul3A_56 = arith.muli %rem3A_54, %mul3A_55 : i32
    %dma_start3A_57 = arith.constant 0 : i32
    %dma_start3A_58 = tpu.memref_slice %arg7[%mul3A_56, %dma_start3A_57] : memref<768x128xf32, #tpu.memory_space<vmem>> -> memref<128x128xf32, #tpu.memory_space<vmem>>
    %dma_start3A_59 = tpu.memref_slice %arg6[%add3A_51] : memref<6400xi32, #tpu.memory_space<vmem>> -> memref<128xi32, #tpu.memory_space<vmem>>
    %dma_start3A_60 = arith.constant 0 : i32
    %dma_start3A_61 = arith.constant 0 : i32
    %dma_start3A_62 = tpu.memref_slice %arg3[%dma_start3A_60, %dma_start3A_61] : memref<100000x128xf32, #tpu.memory_space<hbm>> -> memref<100000x128xf32, #tpu.memory_space<hbm>>
    tpu.enqueue_indirect_dma source(%dma_start3A_62 : memref<100000x128xf32, #tpu.memory_space<hbm>>) target(%dma_start3A_58 : memref<128x128xf32, #tpu.memory_space<vmem>>) offsets(%dma_start3A_59 : memref<128xi32, #tpu.memory_space<vmem>>) semaphore(%arg9 : memref<!tpu.dma_semaphore, #tpu.memory_space<semaphore_mem>>)
    %rem3A_63 = arith.constant 0 : i32
    %rem3A_64 = arith.constant 2 : i32
    %rem3A_65 = arith.remsi %rem3A_63, %rem3A_64 : i32
    %mul3A_66 = arith.constant 3200 : i32
    %mul3A_67 = arith.muli %rem3A_65, %mul3A_66 : i32
    %rem3A_68 = arith.constant 2 : i32
    %rem3A_69 = arith.constant 25 : i32
    %rem3A_70 = arith.remsi %rem3A_68, %rem3A_69 : i32
    %mul3A_71 = arith.constant 128 : i32
    %mul3A_72 = arith.muli %rem3A_70, %mul3A_71 : i32
    %add3A_73 = arith.addi %mul3A_67, %mul3A_72 : i32
    %rem3A_74 = arith.constant 2 : i32
    %rem3A_75 = arith.constant 6 : i32
    %rem3A_76 = arith.remsi %rem3A_74, %rem3A_75 : i32
    %mul3A_77 = arith.constant 128 : i32
    %mul3A_78 = arith.muli %rem3A_76, %mul3A_77 : i32
    %dma_start3A_79 = arith.constant 0 : i32
    %dma_start3A_80 = tpu.memref_slice %arg7[%mul3A_78, %dma_start3A_79] : memref<768x128xf32, #tpu.memory_space<vmem>> -> memref<128x128xf32, #tpu.memory_space<vmem>>
    %dma_start3A_81 = tpu.memref_slice %arg6[%add3A_73] : memref<6400xi32, #tpu.memory_space<vmem>> -> memref<128xi32, #tpu.memory_space<vmem>>
    %dma_start3A_82 = arith.constant 0 : i32
    %dma_start3A_83 = arith.constant 0 : i32
    %dma_start3A_84 = tpu.memref_slice %arg3[%dma_start3A_82, %dma_start3A_83] : memref<100000x128xf32, #tpu.memory_space<hbm>> -> memref<100000x128xf32, #tpu.memory_space<hbm>>
    tpu.enqueue_indirect_dma source(%dma_start3A_84 : memref<100000x128xf32, #tpu.memory_space<hbm>>) target(%dma_start3A_80 : memref<128x128xf32, #tpu.memory_space<vmem>>) offsets(%dma_start3A_81 : memref<128xi32, #tpu.memory_space<vmem>>) semaphore(%arg9 : memref<!tpu.dma_semaphore, #tpu.memory_space<semaphore_mem>>)
    %scan3A = arith.constant 0 : i32
    %scan3A_85 = arith.constant 0 : i32
    %scan3A_86 = arith.constant 200 : i32
    %scan3A_87 = arith.addi %scan3A_85, %scan3A_86 : i32
    %scan3A_88 = arith.constant 1 : i32
    scf.for %scan3A_179 = %scan3A_85 to %scan3A_87 step %scan3A_88  : i32 {
      %jit3A = arith.constant 25 : i32
      %div3A = arith.divsi %scan3A_179, %jit3A : i32
      %sign3A = arith.constant 0 : i32
      %sign3A_180 = arith.cmpi sgt, %scan3A_179, %sign3A : i32
      %sign3A_181 = arith.extui %sign3A_180 : i1 to i32
      %sign3A_182 = arith.constant 0 : i32
      %sign3A_183 = arith.cmpi slt, %scan3A_179, %sign3A_182 : i32
      %sign3A_184 = arith.extui %sign3A_183 : i1 to i32
      %sign3A_185 = arith.subi %sign3A_181, %sign3A_184 : i32
      %sign3A_186 = arith.constant 0 : i32
      %sign3A_187 = arith.cmpi sgt, %jit3A, %sign3A_186 : i32
      %sign3A_188 = arith.extui %sign3A_187 : i1 to i32
      %sign3A_189 = arith.constant 0 : i32
      %sign3A_190 = arith.cmpi slt, %jit3A, %sign3A_189 : i32
      %sign3A_191 = arith.extui %sign3A_190 : i1 to i32
      %sign3A_192 = arith.subi %sign3A_188, %sign3A_191 : i32
      %ne3A = arith.cmpi ne, %sign3A_185, %sign3A_192 : i32
      %rem3A_193 = arith.remsi %scan3A_179, %jit3A : i32
      %ne3A_194 = arith.constant 0 : i32
      %ne3A_195 = arith.cmpi ne, %rem3A_193, %ne3A_194 : i32
      %and3A = arith.andi %ne3A, %ne3A_195 : i1
      %sub3A = arith.constant 1 : i32
      %sub3A_196 = arith.subi %div3A, %sub3A : i32
      %select_n3A = arith.select %and3A, %sub3A_196, %div3A : i32
      %rem3A_197 = arith.constant 2 : i32
      %rem3A_198 = arith.remsi %select_n3A, %rem3A_197 : i32
      %mul3A_199 = arith.constant 3200 : i32
      %mul3A_200 = arith.muli %rem3A_198, %mul3A_199 : i32
      %rem3A_201 = arith.constant 25 : i32
      %rem3A_202 = arith.remsi %scan3A_179, %rem3A_201 : i32
      %mul3A_203 = arith.constant 128 : i32
      %mul3A_204 = arith.muli %rem3A_202, %mul3A_203 : i32
      %add3A_205 = arith.addi %mul3A_200, %mul3A_204 : i32
      %rem3A_206 = arith.constant 6 : i32
      %rem3A_207 = arith.remsi %scan3A_179, %rem3A_206 : i32
      %mul3A_208 = arith.constant 128 : i32
      %mul3A_209 = arith.muli %rem3A_207, %mul3A_208 : i32
      %dma_wait3A_210 = arith.constant 0 : i32
      %dma_wait3A_211 = tpu.memref_slice %arg7[%mul3A_209, %dma_wait3A_210] : memref<768x128xf32, #tpu.memory_space<vmem>> -> memref<128x128xf32, #tpu.memory_space<vmem>>
      %dma_wait3A_212 = tpu.memref_slice %arg6[%add3A_205] : memref<6400xi32, #tpu.memory_space<vmem>> -> memref<128xi32, #tpu.memory_space<vmem>>
      %dma_wait3A_213 = arith.constant 0 : i32
      %dma_wait3A_214 = arith.constant 0 : i32
      %dma_wait3A_215 = tpu.memref_slice %arg3[%dma_wait3A_213, %dma_wait3A_214] : memref<100000x128xf32, #tpu.memory_space<hbm>> -> memref<100000x128xf32, #tpu.memory_space<hbm>>
      tpu.wait_indirect_dma semaphore(%arg9 : memref<!tpu.dma_semaphore, #tpu.memory_space<semaphore_mem>>) src(%dma_wait3A_215 : memref<100000x128xf32, #tpu.memory_space<hbm>>) dst(%dma_wait3A_211 : memref<128x128xf32, #tpu.memory_space<vmem>>)
      %add3A_216 = arith.constant 3 : i32
      %add3A_217 = arith.addi %scan3A_179, %add3A_216 : i32
      %lt3A = arith.constant 200 : i32
      %lt3A_218 = arith.cmpi slt, %add3A_217, %lt3A : i32
      %convert_element_type3A = arith.extui %lt3A_218 : i1 to i32
      %cond3A = arith.constant 0 : i32
      %cond3A_219 = arith.cmpi ne, %convert_element_type3A, %cond3A : i32
      scf.if %cond3A_219 {
        %sub3A_240 = arith.constant 6 : i32
        %sub3A_241 = arith.subi %add3A_217, %sub3A_240 : i32
        %rem3A_242 = arith.constant 1 : i32
        %rem3A_243 = arith.remsi %sub3A_241, %rem3A_242 : i32
        %eq3A_244 = arith.constant 0 : i32
        %eq3A_245 = arith.cmpi eq, %rem3A_243, %eq3A_244 : i32
        %ge3A = arith.constant 6 : i32
        %ge3A_246 = arith.cmpi sge, %add3A_217, %ge3A : i32
        %and3A_247 = arith.andi %eq3A_245, %ge3A_246 : i1
        %convert_element_type3A_248 = arith.extui %and3A_247 : i1 to i32
        %cond3A_249 = arith.constant 0 : i32
        %cond3A_250 = arith.cmpi ne, %convert_element_type3A_248, %cond3A_249 : i32
        scf.if %cond3A_250 {
          %sub3A_301 = arith.constant 6 : i32
          %sub3A_302 = arith.subi %add3A_217, %sub3A_301 : i32
          %add3A_303 = arith.constant 1 : i32
          %add3A_304 = arith.addi %sub3A_302, %add3A_303 : i32
          %sub3A_305 = arith.constant 1 : i32
          %sub3A_306 = arith.subi %add3A_304, %sub3A_305 : i32
          %sub3A_307 = arith.constant 0 : i32
          %sub3A_308 = arith.subi %sub3A_306, %sub3A_307 : i32
          %rem3A_309 = arith.constant 6 : i32
          %rem3A_310 = arith.remsi %sub3A_308, %rem3A_309 : i32
          %mul3A_311 = arith.constant 128 : i32
          %mul3A_312 = arith.muli %rem3A_310, %mul3A_311 : i32
          %sub3A_313 = arith.constant 0 : i32
          %sub3A_314 = arith.subi %sub3A_306, %sub3A_313 : i32
          %mul3A_315 = arith.constant 128 : i32
          %mul3A_316 = arith.muli %sub3A_314, %mul3A_315 : i32
          %add3A_317 = arith.addi %mul3A_2, %mul3A_316 : i32
          %dma_wait3A_318 = arith.constant 0 : i32
          %dma_wait3A_319 = tpu.memref_slice %arg7[%mul3A_312, %dma_wait3A_318] : memref<768x128xf32, #tpu.memory_space<vmem>> -> memref<128x128xf32, #tpu.memory_space<vmem>>
          %dma_wait3A_320 = arith.constant 0 : i32
          %dma_wait3A_321 = tpu.memref_slice %arg5[%add3A_317, %dma_wait3A_320] : memref<819200x128xf32, #tpu.memory_space<hbm>> -> memref<128x128xf32, #tpu.memory_space<hbm>>
          %dma_wait3A_322 = arith.constant 0 : i32
          %dma_wait3A_323 = tpu.memref_slice %arg5[%add3A_317, %dma_wait3A_322] : memref<819200x128xf32, #tpu.memory_space<hbm>> -> memref<128x128xf32, #tpu.memory_space<hbm>>
          %dma_wait3A_324 = arith.constant 0 : i32
          %dma_wait3A_325 = tpu.memref_slice %arg7[%mul3A_312, %dma_wait3A_324] : memref<768x128xf32, #tpu.memory_space<vmem>> -> memref<128x128xf32, #tpu.memory_space<vmem>>
          tpu.wait_dma2 semaphore(%arg10 : memref<!tpu.dma_semaphore, #tpu.memory_space<semaphore_mem>>) src(%dma_wait3A_325 : memref<128x128xf32, #tpu.memory_space<vmem>>) dst(%dma_wait3A_323 : memref<128x128xf32, #tpu.memory_space<hbm>>)
        } else {
        }
        %rem3A_251 = arith.constant 25 : i32
        %rem3A_252 = arith.remsi %add3A_217, %rem3A_251 : i32
        %eq3A_253 = arith.constant 0 : i32
        %eq3A_254 = arith.cmpi eq, %rem3A_252, %eq3A_253 : i32
        %convert_element_type3A_255 = arith.extui %eq3A_254 : i1 to i32
        %cond3A_256 = arith.constant 0 : i32
        %cond3A_257 = arith.cmpi ne, %convert_element_type3A_255, %cond3A_256 : i32
        scf.if %cond3A_257 {
          %jit3A_301 = arith.constant 25 : i32
          %div3A_302 = arith.divsi %add3A_217, %jit3A_301 : i32
          %sign3A_303 = arith.constant 0 : i32
          %sign3A_304 = arith.cmpi sgt, %add3A_217, %sign3A_303 : i32
          %sign3A_305 = arith.extui %sign3A_304 : i1 to i32
          %sign3A_306 = arith.constant 0 : i32
          %sign3A_307 = arith.cmpi slt, %add3A_217, %sign3A_306 : i32
          %sign3A_308 = arith.extui %sign3A_307 : i1 to i32
          %sign3A_309 = arith.subi %sign3A_305, %sign3A_308 : i32
          %sign3A_310 = arith.constant 0 : i32
          %sign3A_311 = arith.cmpi sgt, %jit3A_301, %sign3A_310 : i32
          %sign3A_312 = arith.extui %sign3A_311 : i1 to i32
          %sign3A_313 = arith.constant 0 : i32
          %sign3A_314 = arith.cmpi slt, %jit3A_301, %sign3A_313 : i32
          %sign3A_315 = arith.extui %sign3A_314 : i1 to i32
          %sign3A_316 = arith.subi %sign3A_312, %sign3A_315 : i32
          %ne3A_317 = arith.cmpi ne, %sign3A_309, %sign3A_316 : i32
          %rem3A_318 = arith.remsi %add3A_217, %jit3A_301 : i32
          %ne3A_319 = arith.constant 0 : i32
          %ne3A_320 = arith.cmpi ne, %rem3A_318, %ne3A_319 : i32
          %and3A_321 = arith.andi %ne3A_317, %ne3A_320 : i1
          %sub3A_322 = arith.constant 1 : i32
          %sub3A_323 = arith.subi %div3A_302, %sub3A_322 : i32
          %select_n3A_324 = arith.select %and3A_321, %sub3A_323, %div3A_302 : i32
          %mul3A_325 = arith.constant 3200 : i32
          %mul3A_326 = arith.muli %select_n3A_324, %mul3A_325 : i32
          %add3A_327 = arith.addi %mul3A_2, %mul3A_326 : i32
          %rem3A_328 = arith.constant 2 : i32
          %rem3A_329 = arith.remsi %select_n3A_324, %rem3A_328 : i32
          %mul3A_330 = arith.constant 3200 : i32
          %mul3A_331 = arith.muli %rem3A_329, %mul3A_330 : i32
          %dma_wait3A_332 = tpu.memref_slice %arg6[%mul3A_331] : memref<6400xi32, #tpu.memory_space<vmem>> -> memref<3200xi32, #tpu.memory_space<vmem>>
          %dma_wait3A_333 = tpu.memref_slice %arg2[%add3A_327] : memref<819200xi32, #tpu.memory_space<hbm>> -> memref<3200xi32, #tpu.memory_space<hbm>>
          %dma_wait3A_334 = tpu.memref_slice %arg6[%mul3A_331] : memref<6400xi32, #tpu.memory_space<vmem>> -> memref<3200xi32, #tpu.memory_space<vmem>>
          %dma_wait3A_335 = tpu.memref_slice %arg2[%add3A_327] : memref<819200xi32, #tpu.memory_space<hbm>> -> memref<3200xi32, #tpu.memory_space<hbm>>
          tpu.wait_dma2 semaphore(%arg11 : memref<!tpu.dma_semaphore, #tpu.memory_space<semaphore_mem>>) src(%dma_wait3A_335 : memref<3200xi32, #tpu.memory_space<hbm>>) dst(%dma_wait3A_334 : memref<3200xi32, #tpu.memory_space<vmem>>)
          %add3A_336 = arith.constant 1 : i32
          %add3A_337 = arith.addi %select_n3A_324, %add3A_336 : i32
          %lt3A_338 = arith.constant 8 : i32
          %lt3A_339 = arith.cmpi slt, %add3A_337, %lt3A_338 : i32
          %convert_element_type3A_340 = arith.extui %lt3A_339 : i1 to i32
          %cond3A_341 = arith.constant 0 : i32
          %cond3A_342 = arith.cmpi ne, %convert_element_type3A_340, %cond3A_341 : i32
          scf.if %cond3A_342 {
            %add3A_343 = arith.constant 1 : i32
            %add3A_344 = arith.addi %select_n3A_324, %add3A_343 : i32
            %mul3A_345 = arith.constant 3200 : i32
            %mul3A_346 = arith.muli %add3A_344, %mul3A_345 : i32
            %add3A_347 = arith.addi %mul3A_2, %mul3A_346 : i32
            %rem3A_348 = arith.constant 2 : i32
            %rem3A_349 = arith.remsi %add3A_344, %rem3A_348 : i32
            %mul3A_350 = arith.constant 3200 : i32
            %mul3A_351 = arith.muli %rem3A_349, %mul3A_350 : i32
            %dma_start3A_352 = tpu.memref_slice %arg6[%mul3A_351] : memref<6400xi32, #tpu.memory_space<vmem>> -> memref<3200xi32, #tpu.memory_space<vmem>>
            %dma_start3A_353 = tpu.memref_slice %arg2[%add3A_347] : memref<819200xi32, #tpu.memory_space<hbm>> -> memref<3200xi32, #tpu.memory_space<hbm>>
            %dma_start3A_354 = tpu.memref_slice %arg6[%mul3A_351] : memref<6400xi32, #tpu.memory_space<vmem>> -> memref<3200xi32, #tpu.memory_space<vmem>>
            %dma_start3A_355 = tpu.memref_slice %arg2[%add3A_347] : memref<819200xi32, #tpu.memory_space<hbm>> -> memref<3200xi32, #tpu.memory_space<hbm>>
            tpu.enqueue_dma source(%dma_start3A_355 : memref<3200xi32, #tpu.memory_space<hbm>>) target(%dma_start3A_354 : memref<3200xi32, #tpu.memory_space<vmem>>) target_semaphore(%arg11 : memref<!tpu.dma_semaphore, #tpu.memory_space<semaphore_mem>>)
          } else {
          }
        } else {
        }
        %jit3A_258 = arith.constant 25 : i32
        %div3A_259 = arith.divsi %add3A_217, %jit3A_258 : i32
        %sign3A_260 = arith.constant 0 : i32
        %sign3A_261 = arith.cmpi sgt, %add3A_217, %sign3A_260 : i32
        %sign3A_262 = arith.extui %sign3A_261 : i1 to i32
        %sign3A_263 = arith.constant 0 : i32
        %sign3A_264 = arith.cmpi slt, %add3A_217, %sign3A_263 : i32
        %sign3A_265 = arith.extui %sign3A_264 : i1 to i32
        %sign3A_266 = arith.subi %sign3A_262, %sign3A_265 : i32
        %sign3A_267 = arith.constant 0 : i32
        %sign3A_268 = arith.cmpi sgt, %jit3A_258, %sign3A_267 : i32
        %sign3A_269 = arith.extui %sign3A_268 : i1 to i32
        %sign3A_270 = arith.constant 0 : i32
        %sign3A_271 = arith.cmpi slt, %jit3A_258, %sign3A_270 : i32
        %sign3A_272 = arith.extui %sign3A_271 : i1 to i32
        %sign3A_273 = arith.subi %sign3A_269, %sign3A_272 : i32
        %ne3A_274 = arith.cmpi ne, %sign3A_266, %sign3A_273 : i32
        %rem3A_275 = arith.remsi %add3A_217, %jit3A_258 : i32
        %ne3A_276 = arith.constant 0 : i32
        %ne3A_277 = arith.cmpi ne, %rem3A_275, %ne3A_276 : i32
        %and3A_278 = arith.andi %ne3A_274, %ne3A_277 : i1
        %sub3A_279 = arith.constant 1 : i32
        %sub3A_280 = arith.subi %div3A_259, %sub3A_279 : i32
        %select_n3A_281 = arith.select %and3A_278, %sub3A_280, %div3A_259 : i32
        %rem3A_282 = arith.constant 2 : i32
        %rem3A_283 = arith.remsi %select_n3A_281, %rem3A_282 : i32
        %mul3A_284 = arith.constant 3200 : i32
        %mul3A_285 = arith.muli %rem3A_283, %mul3A_284 : i32
        %rem3A_286 = arith.constant 25 : i32
        %rem3A_287 = arith.remsi %add3A_217, %rem3A_286 : i32
        %mul3A_288 = arith.constant 128 : i32
        %mul3A_289 = arith.muli %rem3A_287, %mul3A_288 : i32
        %add3A_290 = arith.addi %mul3A_285, %mul3A_289 : i32
        %rem3A_291 = arith.constant 6 : i32
        %rem3A_292 = arith.remsi %add3A_217, %rem3A_291 : i32
        %mul3A_293 = arith.constant 128 : i32
        %mul3A_294 = arith.muli %rem3A_292, %mul3A_293 : i32
        %dma_start3A_295 = arith.constant 0 : i32
        %dma_start3A_296 = tpu.memref_slice %arg7[%mul3A_294, %dma_start3A_295] : memref<768x128xf32, #tpu.memory_space<vmem>> -> memref<128x128xf32, #tpu.memory_space<vmem>>
        %dma_start3A_297 = tpu.memref_slice %arg6[%add3A_290] : memref<6400xi32, #tpu.memory_space<vmem>> -> memref<128xi32, #tpu.memory_space<vmem>>
        %dma_start3A_298 = arith.constant 0 : i32
        %dma_start3A_299 = arith.constant 0 : i32
        %dma_start3A_300 = tpu.memref_slice %arg3[%dma_start3A_298, %dma_start3A_299] : memref<100000x128xf32, #tpu.memory_space<hbm>> -> memref<100000x128xf32, #tpu.memory_space<hbm>>
        tpu.enqueue_indirect_dma source(%dma_start3A_300 : memref<100000x128xf32, #tpu.memory_space<hbm>>) target(%dma_start3A_296 : memref<128x128xf32, #tpu.memory_space<vmem>>) offsets(%dma_start3A_297 : memref<128xi32, #tpu.memory_space<vmem>>) semaphore(%arg9 : memref<!tpu.dma_semaphore, #tpu.memory_space<semaphore_mem>>)
      } else {
      }
      %mul3A_220 = arith.constant 128 : i32
      %mul3A_221 = arith.muli %scan3A_179, %mul3A_220 : i32
      %rem3A_222 = arith.constant 200 : i32
      %rem3A_223 = arith.remsi %mul3A_221, %rem3A_222 : i32
      %sub3A_224 = arith.constant 200 : i32
      %sub3A_225 = arith.subi %sub3A_224, %rem3A_223 : i32
      %min3A = arith.constant 128 : i32
      %min3A_226 = arith.minsi %min3A, %sub3A_225 : i32
      %rem3A_227 = arith.constant 6 : i32
      %rem3A_228 = arith.remsi %scan3A_179, %rem3A_227 : i32
      %mul3A_229 = arith.constant 128 : i32
      %mul3A_230 = arith.muli %rem3A_228, %mul3A_229 : i32
      %parallel_loop3A = arith.constant 0 : i32
      %parallel_loop3A_231 = arith.constant 1 : i32
      scf.for %parallel_loop3A_240 = %parallel_loop3A to %min3A_226 step %parallel_loop3A_231  : i32 {
        %parallel_loop3A_241 = arith.addi %mul3A_230, %parallel_loop3A_240 : i32
        %parallel_loop3A_242 = arith.addi %rem3A_223, %parallel_loop3A_240 : i32
        %parallel_loop3A_243 = arith.index_cast %parallel_loop3A_242 : i32 to index
        %parallel_loop3A_244 = arith.constant 0 : index
        %parallel_loop3A_245 = tpu.vector_load %arg8[%parallel_loop3A_243, %parallel_loop3A_244] {strides = array<i32>} : memref<200x128xf32, #tpu.memory_space<vmem>>, vector<1x16xf32>,
        %parallel_loop3A_246 = vector.shape_cast %parallel_loop3A_245 : vector<1x16xf32> to vector<16xf32>
        %parallel_loop3A_247 = arith.index_cast %parallel_loop3A_241 : i32 to index
        %parallel_loop3A_248 = arith.constant 0 : index
        %parallel_loop3A_249 = tpu.vector_load %arg7[%parallel_loop3A_247, %parallel_loop3A_248] {strides = array<i32>} : memref<768x128xf32, #tpu.memory_space<vmem>>, vector<1x16xf32>,
        %parallel_loop3A_250 = vector.shape_cast %parallel_loop3A_249 : vector<1x16xf32> to vector<16xf32>
        %parallel_loop3A_251 = vector.shape_cast %parallel_loop3A_246 : vector<16xf32> to vector<1x16xf32>
        tpu.vector_store %arg7[%parallel_loop3A_247, %parallel_loop3A_248], %parallel_loop3A_251 {add = true, strides = array<i32>} : memref<768x128xf32, #tpu.memory_space<vmem>>, vector<1x16xf32>,
        %parallel_loop3A_252 = arith.addi %mul3A_230, %parallel_loop3A_240 : i32
        %parallel_loop3A_253 = arith.addi %rem3A_223, %parallel_loop3A_240 : i32
        %parallel_loop3A_254 = arith.index_cast %parallel_loop3A_253 : i32 to index
        %parallel_loop3A_255 = arith.constant 16 : index
        %parallel_loop3A_256 = tpu.vector_load %arg8[%parallel_loop3A_254, %parallel_loop3A_255] {strides = array<i32>} : memref<200x128xf32, #tpu.memory_space<vmem>>, vector<1x16xf32>,
        %parallel_loop3A_257 = vector.shape_cast %parallel_loop3A_256 : vector<1x16xf32> to vector<16xf32>
        %parallel_loop3A_258 = arith.index_cast %parallel_loop3A_252 : i32 to index
        %parallel_loop3A_259 = arith.constant 16 : index
        %parallel_loop3A_260 = tpu.vector_load %arg7[%parallel_loop3A_258, %parallel_loop3A_259] {strides = array<i32>} : memref<768x128xf32, #tpu.memory_space<vmem>>, vector<1x16xf32>,
        %parallel_loop3A_261 = vector.shape_cast %parallel_loop3A_260 : vector<1x16xf32> to vector<16xf32>
        %parallel_loop3A_262 = vector.shape_cast %parallel_loop3A_257 : vector<16xf32> to vector<1x16xf32>
        tpu.vector_store %arg7[%parallel_loop3A_258, %parallel_loop3A_259], %parallel_loop3A_262 {add = true, strides = array<i32>} : memref<768x128xf32, #tpu.memory_space<vmem>>, vector<1x16xf32>,
        %parallel_loop3A_263 = arith.addi %mul3A_230, %parallel_loop3A_240 : i32
        %parallel_loop3A_264 = arith.addi %rem3A_223, %parallel_loop3A_240 : i32
        %parallel_loop3A_265 = arith.index_cast %parallel_loop3A_264 : i32 to index
        %parallel_loop3A_266 = arith.constant 32 : index
        %parallel_loop3A_267 = tpu.vector_load %arg8[%parallel_loop3A_265, %parallel_loop3A_266] {strides = array<i32>} : memref<200x128xf32, #tpu.memory_space<vmem>>, vector<1x16xf32>,
        %parallel_loop3A_268 = vector.shape_cast %parallel_loop3A_267 : vector<1x16xf32> to vector<16xf32>
        %parallel_loop3A_269 = arith.index_cast %parallel_loop3A_263 : i32 to index
        %parallel_loop3A_270 = arith.constant 32 : index
        %parallel_loop3A_271 = tpu.vector_load %arg7[%parallel_loop3A_269, %parallel_loop3A_270] {strides = array<i32>} : memref<768x128xf32, #tpu.memory_space<vmem>>, vector<1x16xf32>,
        %parallel_loop3A_272 = vector.shape_cast %parallel_loop3A_271 : vector<1x16xf32> to vector<16xf32>
        %parallel_loop3A_273 = vector.shape_cast %parallel_loop3A_268 : vector<16xf32> to vector<1x16xf32>
        tpu.vector_store %arg7[%parallel_loop3A_269, %parallel_loop3A_270], %parallel_loop3A_273 {add = true, strides = array<i32>} : memref<768x128xf32, #tpu.memory_space<vmem>>, vector<1x16xf32>,
        %parallel_loop3A_274 = arith.addi %mul3A_230, %parallel_loop3A_240 : i32
        %parallel_loop3A_275 = arith.addi %rem3A_223, %parallel_loop3A_240 : i32
        %parallel_loop3A_276 = arith.index_cast %parallel_loop3A_275 : i32 to index
        %parallel_loop3A_277 = arith.constant 48 : index
        %parallel_loop3A_278 = tpu.vector_load %arg8[%parallel_loop3A_276, %parallel_loop3A_277] {strides = array<i32>} : memref<200x128xf32, #tpu.memory_space<vmem>>, vector<1x16xf32>,
        %parallel_loop3A_279 = vector.shape_cast %parallel_loop3A_278 : vector<1x16xf32> to vector<16xf32>
        %parallel_loop3A_280 = arith.index_cast %parallel_loop3A_274 : i32 to index
        %parallel_loop3A_281 = arith.constant 48 : index
        %parallel_loop3A_282 = tpu.vector_load %arg7[%parallel_loop3A_280, %parallel_loop3A_281] {strides = array<i32>} : memref<768x128xf32, #tpu.memory_space<vmem>>, vector<1x16xf32>,
        %parallel_loop3A_283 = vector.shape_cast %parallel_loop3A_282 : vector<1x16xf32> to vector<16xf32>
        %parallel_loop3A_284 = vector.shape_cast %parallel_loop3A_279 : vector<16xf32> to vector<1x16xf32>
        tpu.vector_store %arg7[%parallel_loop3A_280, %parallel_loop3A_281], %parallel_loop3A_284 {add = true, strides = array<i32>} : memref<768x128xf32, #tpu.memory_space<vmem>>, vector<1x16xf32>,
        %parallel_loop3A_285 = arith.addi %mul3A_230, %parallel_loop3A_240 : i32
        %parallel_loop3A_286 = arith.addi %rem3A_223, %parallel_loop3A_240 : i32
        %parallel_loop3A_287 = arith.index_cast %parallel_loop3A_286 : i32 to index
        %parallel_loop3A_288 = arith.constant 64 : index
        %parallel_loop3A_289 = tpu.vector_load %arg8[%parallel_loop3A_287, %parallel_loop3A_288] {strides = array<i32>} : memref<200x128xf32, #tpu.memory_space<vmem>>, vector<1x16xf32>,
        %parallel_loop3A_290 = vector.shape_cast %parallel_loop3A_289 : vector<1x16xf32> to vector<16xf32>
        %parallel_loop3A_291 = arith.index_cast %parallel_loop3A_285 : i32 to index
        %parallel_loop3A_292 = arith.constant 64 : index
        %parallel_loop3A_293 = tpu.vector_load %arg7[%parallel_loop3A_291, %parallel_loop3A_292] {strides = array<i32>} : memref<768x128xf32, #tpu.memory_space<vmem>>, vector<1x16xf32>,
        %parallel_loop3A_294 = vector.shape_cast %parallel_loop3A_293 : vector<1x16xf32> to vector<16xf32>
        %parallel_loop3A_295 = vector.shape_cast %parallel_loop3A_290 : vector<16xf32> to vector<1x16xf32>
        tpu.vector_store %arg7[%parallel_loop3A_291, %parallel_loop3A_292], %parallel_loop3A_295 {add = true, strides = array<i32>} : memref<768x128xf32, #tpu.memory_space<vmem>>, vector<1x16xf32>,
        %parallel_loop3A_296 = arith.addi %mul3A_230, %parallel_loop3A_240 : i32
        %parallel_loop3A_297 = arith.addi %rem3A_223, %parallel_loop3A_240 : i32
        %parallel_loop3A_298 = arith.index_cast %parallel_loop3A_297 : i32 to index
        %parallel_loop3A_299 = arith.constant 80 : index
        %parallel_loop3A_300 = tpu.vector_load %arg8[%parallel_loop3A_298, %parallel_loop3A_299] {strides = array<i32>} : memref<200x128xf32, #tpu.memory_space<vmem>>, vector<1x16xf32>,
        %parallel_loop3A_301 = vector.shape_cast %parallel_loop3A_300 : vector<1x16xf32> to vector<16xf32>
        %parallel_loop3A_302 = arith.index_cast %parallel_loop3A_296 : i32 to index
        %parallel_loop3A_303 = arith.constant 80 : index
        %parallel_loop3A_304 = tpu.vector_load %arg7[%parallel_loop3A_302, %parallel_loop3A_303] {strides = array<i32>} : memref<768x128xf32, #tpu.memory_space<vmem>>, vector<1x16xf32>,
        %parallel_loop3A_305 = vector.shape_cast %parallel_loop3A_304 : vector<1x16xf32> to vector<16xf32>
        %parallel_loop3A_306 = vector.shape_cast %parallel_loop3A_301 : vector<16xf32> to vector<1x16xf32>
        tpu.vector_store %arg7[%parallel_loop3A_302, %parallel_loop3A_303], %parallel_loop3A_306 {add = true, strides = array<i32>} : memref<768x128xf32, #tpu.memory_space<vmem>>, vector<1x16xf32>,
        %parallel_loop3A_307 = arith.addi %mul3A_230, %parallel_loop3A_240 : i32
        %parallel_loop3A_308 = arith.addi %rem3A_223, %parallel_loop3A_240 : i32
        %parallel_loop3A_309 = arith.index_cast %parallel_loop3A_308 : i32 to index
        %parallel_loop3A_310 = arith.constant 96 : index
        %parallel_loop3A_311 = tpu.vector_load %arg8[%parallel_loop3A_309, %parallel_loop3A_310] {strides = array<i32>} : memref<200x128xf32, #tpu.memory_space<vmem>>, vector<1x16xf32>,
        %parallel_loop3A_312 = vector.shape_cast %parallel_loop3A_311 : vector<1x16xf32> to vector<16xf32>
        %parallel_loop3A_313 = arith.index_cast %parallel_loop3A_307 : i32 to index
        %parallel_loop3A_314 = arith.constant 96 : index
        %parallel_loop3A_315 = tpu.vector_load %arg7[%parallel_loop3A_313, %parallel_loop3A_314] {strides = array<i32>} : memref<768x128xf32, #tpu.memory_space<vmem>>, vector<1x16xf32>,
        %parallel_loop3A_316 = vector.shape_cast %parallel_loop3A_315 : vector<1x16xf32> to vector<16xf32>
        %parallel_loop3A_317 = vector.shape_cast %parallel_loop3A_312 : vector<16xf32> to vector<1x16xf32>
        tpu.vector_store %arg7[%parallel_loop3A_313, %parallel_loop3A_314], %parallel_loop3A_317 {add = true, strides = array<i32>} : memref<768x128xf32, #tpu.memory_space<vmem>>, vector<1x16xf32>,
        %parallel_loop3A_318 = arith.addi %mul3A_230, %parallel_loop3A_240 : i32
        %parallel_loop3A_319 = arith.addi %rem3A_223, %parallel_loop3A_240 : i32
        %parallel_loop3A_320 = arith.index_cast %parallel_loop3A_319 : i32 to index
        %parallel_loop3A_321 = arith.constant 112 : index
        %parallel_loop3A_322 = tpu.vector_load %arg8[%parallel_loop3A_320, %parallel_loop3A_321] {strides = array<i32>} : memref<200x128xf32, #tpu.memory_space<vmem>>, vector<1x16xf32>,
        %parallel_loop3A_323 = vector.shape_cast %parallel_loop3A_322 : vector<1x16xf32> to vector<16xf32>
        %parallel_loop3A_324 = arith.index_cast %parallel_loop3A_318 : i32 to index
        %parallel_loop3A_325 = arith.constant 112 : index
        %parallel_loop3A_326 = tpu.vector_load %arg7[%parallel_loop3A_324, %parallel_loop3A_325] {strides = array<i32>} : memref<768x128xf32, #tpu.memory_space<vmem>>, vector<1x16xf32>,
        %parallel_loop3A_327 = vector.shape_cast %parallel_loop3A_326 : vector<1x16xf32> to vector<16xf32>
        %parallel_loop3A_328 = vector.shape_cast %parallel_loop3A_323 : vector<16xf32> to vector<1x16xf32>
        tpu.vector_store %arg7[%parallel_loop3A_324, %parallel_loop3A_325], %parallel_loop3A_328 {add = true, strides = array<i32>} : memref<768x128xf32, #tpu.memory_space<vmem>>, vector<1x16xf32>,
      } {sc.loop_unroll_factor = 4 : i64, sc.parallel_access}
      %parallel_loop3A_232 = arith.constant 128 : i32
      %parallel_loop3A_233 = arith.constant 1 : i32
      scf.for %parallel_loop3A_240 = %min3A_226 to %parallel_loop3A_232 step %parallel_loop3A_233  : i32 {
        %parallel_loop3A_241 = arith.addi %mul3A_230, %parallel_loop3A_240 : i32
        %parallel_loop3A_242 = arith.addi %rem3A_223, %parallel_loop3A_240 : i32
        %parallel_loop3A_243 = arith.constant 200 : i32
        %parallel_loop3A_244 = arith.subi %parallel_loop3A_242, %parallel_loop3A_243 : i32
        %parallel_loop3A_245 = arith.index_cast %parallel_loop3A_244 : i32 to index
        %parallel_loop3A_246 = arith.constant 0 : index
        %parallel_loop3A_247 = tpu.vector_load %arg8[%parallel_loop3A_245, %parallel_loop3A_246] {strides = array<i32>} : memref<200x128xf32, #tpu.memory_space<vmem>>, vector<1x16xf32>,
        %parallel_loop3A_248 = vector.shape_cast %parallel_loop3A_247 : vector<1x16xf32> to vector<16xf32>
        %parallel_loop3A_249 = arith.index_cast %parallel_loop3A_241 : i32 to index
        %parallel_loop3A_250 = arith.constant 0 : index
        %parallel_loop3A_251 = tpu.vector_load %arg7[%parallel_loop3A_249, %parallel_loop3A_250] {strides = array<i32>} : memref<768x128xf32, #tpu.memory_space<vmem>>, vector<1x16xf32>,
        %parallel_loop3A_252 = vector.shape_cast %parallel_loop3A_251 : vector<1x16xf32> to vector<16xf32>
        %parallel_loop3A_253 = vector.shape_cast %parallel_loop3A_248 : vector<16xf32> to vector<1x16xf32>
        tpu.vector_store %arg7[%parallel_loop3A_249, %parallel_loop3A_250], %parallel_loop3A_253 {add = true, strides = array<i32>} : memref<768x128xf32, #tpu.memory_space<vmem>>, vector<1x16xf32>,
        %parallel_loop3A_254 = arith.addi %mul3A_230, %parallel_loop3A_240 : i32
        %parallel_loop3A_255 = arith.addi %rem3A_223, %parallel_loop3A_240 : i32
        %parallel_loop3A_256 = arith.constant 200 : i32
        %parallel_loop3A_257 = arith.subi %parallel_loop3A_255, %parallel_loop3A_256 : i32
        %parallel_loop3A_258 = arith.index_cast %parallel_loop3A_257 : i32 to index
        %parallel_loop3A_259 = arith.constant 16 : index
        %parallel_loop3A_260 = tpu.vector_load %arg8[%parallel_loop3A_258, %parallel_loop3A_259] {strides = array<i32>} : memref<200x128xf32, #tpu.memory_space<vmem>>, vector<1x16xf32>,
        %parallel_loop3A_261 = vector.shape_cast %parallel_loop3A_260 : vector<1x16xf32> to vector<16xf32>
        %parallel_loop3A_262 = arith.index_cast %parallel_loop3A_254 : i32 to index
        %parallel_loop3A_263 = arith.constant 16 : index
        %parallel_loop3A_264 = tpu.vector_load %arg7[%parallel_loop3A_262, %parallel_loop3A_263] {strides = array<i32>} : memref<768x128xf32, #tpu.memory_space<vmem>>, vector<1x16xf32>,
        %parallel_loop3A_265 = vector.shape_cast %parallel_loop3A_264 : vector<1x16xf32> to vector<16xf32>
        %parallel_loop3A_266 = vector.shape_cast %parallel_loop3A_261 : vector<16xf32> to vector<1x16xf32>
        tpu.vector_store %arg7[%parallel_loop3A_262, %parallel_loop3A_263], %parallel_loop3A_266 {add = true, strides = array<i32>} : memref<768x128xf32, #tpu.memory_space<vmem>>, vector<1x16xf32>,
        %parallel_loop3A_267 = arith.addi %mul3A_230, %parallel_loop3A_240 : i32
        %parallel_loop3A_268 = arith.addi %rem3A_223, %parallel_loop3A_240 : i32
        %parallel_loop3A_269 = arith.constant 200 : i32
        %parallel_loop3A_270 = arith.subi %parallel_loop3A_268, %parallel_loop3A_269 : i32
        %parallel_loop3A_271 = arith.index_cast %parallel_loop3A_270 : i32 to index
        %parallel_loop3A_272 = arith.constant 32 : index
        %parallel_loop3A_273 = tpu.vector_load %arg8[%parallel_loop3A_271, %parallel_loop3A_272] {strides = array<i32>} : memref<200x128xf32, #tpu.memory_space<vmem>>, vector<1x16xf32>,
        %parallel_loop3A_274 = vector.shape_cast %parallel_loop3A_273 : vector<1x16xf32> to vector<16xf32>
        %parallel_loop3A_275 = arith.index_cast %parallel_loop3A_267 : i32 to index
        %parallel_loop3A_276 = arith.constant 32 : index
        %parallel_loop3A_277 = tpu.vector_load %arg7[%parallel_loop3A_275, %parallel_loop3A_276] {strides = array<i32>} : memref<768x128xf32, #tpu.memory_space<vmem>>, vector<1x16xf32>,
        %parallel_loop3A_278 = vector.shape_cast %parallel_loop3A_277 : vector<1x16xf32> to vector<16xf32>
        %parallel_loop3A_279 = vector.shape_cast %parallel_loop3A_274 : vector<16xf32> to vector<1x16xf32>
        tpu.vector_store %arg7[%parallel_loop3A_275, %parallel_loop3A_276], %parallel_loop3A_279 {add = true, strides = array<i32>} : memref<768x128xf32, #tpu.memory_space<vmem>>, vector<1x16xf32>,
        %parallel_loop3A_280 = arith.addi %mul3A_230, %parallel_loop3A_240 : i32
        %parallel_loop3A_281 = arith.addi %rem3A_223, %parallel_loop3A_240 : i32
        %parallel_loop3A_282 = arith.constant 200 : i32
        %parallel_loop3A_283 = arith.subi %parallel_loop3A_281, %parallel_loop3A_282 : i32
        %parallel_loop3A_284 = arith.index_cast %parallel_loop3A_283 : i32 to index
        %parallel_loop3A_285 = arith.constant 48 : index
        %parallel_loop3A_286 = tpu.vector_load %arg8[%parallel_loop3A_284, %parallel_loop3A_285] {strides = array<i32>} : memref<200x128xf32, #tpu.memory_space<vmem>>, vector<1x16xf32>,
        %parallel_loop3A_287 = vector.shape_cast %parallel_loop3A_286 : vector<1x16xf32> to vector<16xf32>
        %parallel_loop3A_288 = arith.index_cast %parallel_loop3A_280 : i32 to index
        %parallel_loop3A_289 = arith.constant 48 : index
        %parallel_loop3A_290 = tpu.vector_load %arg7[%parallel_loop3A_288, %parallel_loop3A_289] {strides = array<i32>} : memref<768x128xf32, #tpu.memory_space<vmem>>, vector<1x16xf32>,
        %parallel_loop3A_291 = vector.shape_cast %parallel_loop3A_290 : vector<1x16xf32> to vector<16xf32>
        %parallel_loop3A_292 = vector.shape_cast %parallel_loop3A_287 : vector<16xf32> to vector<1x16xf32>
        tpu.vector_store %arg7[%parallel_loop3A_288, %parallel_loop3A_289], %parallel_loop3A_292 {add = true, strides = array<i32>} : memref<768x128xf32, #tpu.memory_space<vmem>>, vector<1x16xf32>,
        %parallel_loop3A_293 = arith.addi %mul3A_230, %parallel_loop3A_240 : i32
        %parallel_loop3A_294 = arith.addi %rem3A_223, %parallel_loop3A_240 : i32
        %parallel_loop3A_295 = arith.constant 200 : i32
        %parallel_loop3A_296 = arith.subi %parallel_loop3A_294, %parallel_loop3A_295 : i32
        %parallel_loop3A_297 = arith.index_cast %parallel_loop3A_296 : i32 to index
        %parallel_loop3A_298 = arith.constant 64 : index
        %parallel_loop3A_299 = tpu.vector_load %arg8[%parallel_loop3A_297, %parallel_loop3A_298] {strides = array<i32>} : memref<200x128xf32, #tpu.memory_space<vmem>>, vector<1x16xf32>,
        %parallel_loop3A_300 = vector.shape_cast %parallel_loop3A_299 : vector<1x16xf32> to vector<16xf32>
        %parallel_loop3A_301 = arith.index_cast %parallel_loop3A_293 : i32 to index
        %parallel_loop3A_302 = arith.constant 64 : index
        %parallel_loop3A_303 = tpu.vector_load %arg7[%parallel_loop3A_301, %parallel_loop3A_302] {strides = array<i32>} : memref<768x128xf32, #tpu.memory_space<vmem>>, vector<1x16xf32>,
        %parallel_loop3A_304 = vector.shape_cast %parallel_loop3A_303 : vector<1x16xf32> to vector<16xf32>
        %parallel_loop3A_305 = vector.shape_cast %parallel_loop3A_300 : vector<16xf32> to vector<1x16xf32>
        tpu.vector_store %arg7[%parallel_loop3A_301, %parallel_loop3A_302], %parallel_loop3A_305 {add = true, strides = array<i32>} : memref<768x128xf32, #tpu.memory_space<vmem>>, vector<1x16xf32>,
        %parallel_loop3A_306 = arith.addi %mul3A_230, %parallel_loop3A_240 : i32
        %parallel_loop3A_307 = arith.addi %rem3A_223, %parallel_loop3A_240 : i32
        %parallel_loop3A_308 = arith.constant 200 : i32
        %parallel_loop3A_309 = arith.subi %parallel_loop3A_307, %parallel_loop3A_308 : i32
        %parallel_loop3A_310 = arith.index_cast %parallel_loop3A_309 : i32 to index
        %parallel_loop3A_311 = arith.constant 80 : index
        %parallel_loop3A_312 = tpu.vector_load %arg8[%parallel_loop3A_310, %parallel_loop3A_311] {strides = array<i32>} : memref<200x128xf32, #tpu.memory_space<vmem>>, vector<1x16xf32>,
        %parallel_loop3A_313 = vector.shape_cast %parallel_loop3A_312 : vector<1x16xf32> to vector<16xf32>
        %parallel_loop3A_314 = arith.index_cast %parallel_loop3A_306 : i32 to index
        %parallel_loop3A_315 = arith.constant 80 : index
        %parallel_loop3A_316 = tpu.vector_load %arg7[%parallel_loop3A_314, %parallel_loop3A_315] {strides = array<i32>} : memref<768x128xf32, #tpu.memory_space<vmem>>, vector<1x16xf32>,
        %parallel_loop3A_317 = vector.shape_cast %parallel_loop3A_316 : vector<1x16xf32> to vector<16xf32>
        %parallel_loop3A_318 = vector.shape_cast %parallel_loop3A_313 : vector<16xf32> to vector<1x16xf32>
        tpu.vector_store %arg7[%parallel_loop3A_314, %parallel_loop3A_315], %parallel_loop3A_318 {add = true, strides = array<i32>} : memref<768x128xf32, #tpu.memory_space<vmem>>, vector<1x16xf32>,
        %parallel_loop3A_319 = arith.addi %mul3A_230, %parallel_loop3A_240 : i32
        %parallel_loop3A_320 = arith.addi %rem3A_223, %parallel_loop3A_240 : i32
        %parallel_loop3A_321 = arith.constant 200 : i32
        %parallel_loop3A_322 = arith.subi %parallel_loop3A_320, %parallel_loop3A_321 : i32
        %parallel_loop3A_323 = arith.index_cast %parallel_loop3A_322 : i32 to index
        %parallel_loop3A_324 = arith.constant 96 : index
        %parallel_loop3A_325 = tpu.vector_load %arg8[%parallel_loop3A_323, %parallel_loop3A_324] {strides = array<i32>} : memref<200x128xf32, #tpu.memory_space<vmem>>, vector<1x16xf32>,
        %parallel_loop3A_326 = vector.shape_cast %parallel_loop3A_325 : vector<1x16xf32> to vector<16xf32>
        %parallel_loop3A_327 = arith.index_cast %parallel_loop3A_319 : i32 to index
        %parallel_loop3A_328 = arith.constant 96 : index
        %parallel_loop3A_329 = tpu.vector_load %arg7[%parallel_loop3A_327, %parallel_loop3A_328] {strides = array<i32>} : memref<768x128xf32, #tpu.memory_space<vmem>>, vector<1x16xf32>,
        %parallel_loop3A_330 = vector.shape_cast %parallel_loop3A_329 : vector<1x16xf32> to vector<16xf32>
        %parallel_loop3A_331 = vector.shape_cast %parallel_loop3A_326 : vector<16xf32> to vector<1x16xf32>
        tpu.vector_store %arg7[%parallel_loop3A_327, %parallel_loop3A_328], %parallel_loop3A_331 {add = true, strides = array<i32>} : memref<768x128xf32, #tpu.memory_space<vmem>>, vector<1x16xf32>,
        %parallel_loop3A_332 = arith.addi %mul3A_230, %parallel_loop3A_240 : i32
        %parallel_loop3A_333 = arith.addi %rem3A_223, %parallel_loop3A_240 : i32
        %parallel_loop3A_334 = arith.constant 200 : i32
        %parallel_loop3A_335 = arith.subi %parallel_loop3A_333, %parallel_loop3A_334 : i32
        %parallel_loop3A_336 = arith.index_cast %parallel_loop3A_335 : i32 to index
        %parallel_loop3A_337 = arith.constant 112 : index
        %parallel_loop3A_338 = tpu.vector_load %arg8[%parallel_loop3A_336, %parallel_loop3A_337] {strides = array<i32>} : memref<200x128xf32, #tpu.memory_space<vmem>>, vector<1x16xf32>,
        %parallel_loop3A_339 = vector.shape_cast %parallel_loop3A_338 : vector<1x16xf32> to vector<16xf32>
        %parallel_loop3A_340 = arith.index_cast %parallel_loop3A_332 : i32 to index
        %parallel_loop3A_341 = arith.constant 112 : index
        %parallel_loop3A_342 = tpu.vector_load %arg7[%parallel_loop3A_340, %parallel_loop3A_341] {strides = array<i32>} : memref<768x128xf32, #tpu.memory_space<vmem>>, vector<1x16xf32>,
        %parallel_loop3A_343 = vector.shape_cast %parallel_loop3A_342 : vector<1x16xf32> to vector<16xf32>
        %parallel_loop3A_344 = vector.shape_cast %parallel_loop3A_339 : vector<16xf32> to vector<1x16xf32>
        tpu.vector_store %arg7[%parallel_loop3A_340, %parallel_loop3A_341], %parallel_loop3A_344 {add = true, strides = array<i32>} : memref<768x128xf32, #tpu.memory_space<vmem>>, vector<1x16xf32>,
      } {sc.loop_unroll_factor = 4 : i64, sc.parallel_access}
      %rem3A_234 = arith.constant 1 : i32
      %rem3A_235 = arith.remsi %scan3A_179, %rem3A_234 : i32
      %eq3A = arith.constant 0 : i32
      %eq3A_236 = arith.cmpi eq, %rem3A_235, %eq3A : i32
      %convert_element_type3A_237 = arith.extui %eq3A_236 : i1 to i32
      %cond3A_238 = arith.constant 0 : i32
      %cond3A_239 = arith.cmpi ne, %convert_element_type3A_237, %cond3A_238 : i32
      scf.if %cond3A_239 {
        %sub3A_240 = arith.constant 0 : i32
        %sub3A_241 = arith.subi %scan3A_179, %sub3A_240 : i32
        %rem3A_242 = arith.constant 6 : i32
        %rem3A_243 = arith.remsi %sub3A_241, %rem3A_242 : i32
        %mul3A_244 = arith.constant 128 : i32
        %mul3A_245 = arith.muli %rem3A_243, %mul3A_244 : i32
        %sub3A_246 = arith.constant 0 : i32
        %sub3A_247 = arith.subi %scan3A_179, %sub3A_246 : i32
        %mul3A_248 = arith.constant 128 : i32
        %mul3A_249 = arith.muli %sub3A_247, %mul3A_248 : i32
        %add3A_250 = arith.addi %mul3A_2, %mul3A_249 : i32
        %dma_start3A_251 = arith.constant 0 : i32
        %dma_start3A_252 = tpu.memref_slice %arg7[%mul3A_245, %dma_start3A_251] : memref<768x128xf32, #tpu.memory_space<vmem>> -> memref<128x128xf32, #tpu.memory_space<vmem>>
        %dma_start3A_253 = arith.constant 0 : i32
        %dma_start3A_254 = tpu.memref_slice %arg5[%add3A_250, %dma_start3A_253] : memref<819200x128xf32, #tpu.memory_space<hbm>> -> memref<128x128xf32, #tpu.memory_space<hbm>>
        %dma_start3A_255 = arith.constant 0 : i32
        %dma_start3A_256 = tpu.memref_slice %arg5[%add3A_250, %dma_start3A_255] : memref<819200x128xf32, #tpu.memory_space<hbm>> -> memref<128x128xf32, #tpu.memory_space<hbm>>
        %dma_start3A_257 = arith.constant 0 : i32
        %dma_start3A_258 = tpu.memref_slice %arg7[%mul3A_245, %dma_start3A_257] : memref<768x128xf32, #tpu.memory_space<vmem>> -> memref<128x128xf32, #tpu.memory_space<vmem>>
        tpu.enqueue_dma source(%dma_start3A_258 : memref<128x128xf32, #tpu.memory_space<vmem>>) target(%dma_start3A_256 : memref<128x128xf32, #tpu.memory_space<hbm>>) target_semaphore(%arg10 : memref<!tpu.dma_semaphore, #tpu.memory_space<semaphore_mem>>)
      } else {
      }
    }
    %scan3A_89 = arith.constant 200 : i32
    %rem3A_90 = arith.constant 194 : i32
    %rem3A_91 = arith.constant 6 : i32
    %rem3A_92 = arith.remsi %rem3A_90, %rem3A_91 : i32
    %mul3A_93 = arith.constant 128 : i32
    %mul3A_94 = arith.muli %rem3A_92, %mul3A_93 : i32
    %add3A_95 = arith.constant 24832 : i32
    %add3A_96 = arith.addi %mul3A_2, %add3A_95 : i32
    %dma_wait3A = arith.constant 0 : i32
    %dma_wait3A_97 = tpu.memref_slice %arg7[%mul3A_94, %dma_wait3A] : memref<768x128xf32, #tpu.memory_space<vmem>> -> memref<128x128xf32, #tpu.memory_space<vmem>>
    %dma_wait3A_98 = arith.constant 0 : i32
    %dma_wait3A_99 = tpu.memref_slice %arg5[%add3A_96, %dma_wait3A_98] : memref<819200x128xf32, #tpu.memory_space<hbm>> -> memref<128x128xf32, #tpu.memory_space<hbm>>
    %dma_wait3A_100 = arith.constant 0 : i32
    %dma_wait3A_101 = tpu.memref_slice %arg5[%add3A_96, %dma_wait3A_100] : memref<819200x128xf32, #tpu.memory_space<hbm>> -> memref<128x128xf32, #tpu.memory_space<hbm>>
    %dma_wait3A_102 = arith.constant 0 : i32
    %dma_wait3A_103 = tpu.memref_slice %arg7[%mul3A_94, %dma_wait3A_102] : memref<768x128xf32, #tpu.memory_space<vmem>> -> memref<128x128xf32, #tpu.memory_space<vmem>>
    tpu.wait_dma2 semaphore(%arg10 : memref<!tpu.dma_semaphore, #tpu.memory_space<semaphore_mem>>) src(%dma_wait3A_103 : memref<128x128xf32, #tpu.memory_space<vmem>>) dst(%dma_wait3A_101 : memref<128x128xf32, #tpu.memory_space<hbm>>)
    %rem3A_104 = arith.constant 195 : i32
    %rem3A_105 = arith.constant 6 : i32
    %rem3A_106 = arith.remsi %rem3A_104, %rem3A_105 : i32
    %mul3A_107 = arith.constant 128 : i32
    %mul3A_108 = arith.muli %rem3A_106, %mul3A_107 : i32
    %add3A_109 = arith.constant 24960 : i32
    %add3A_110 = arith.addi %mul3A_2, %add3A_109 : i32
    %dma_wait3A_111 = arith.constant 0 : i32
    %dma_wait3A_112 = tpu.memref_slice %arg7[%mul3A_108, %dma_wait3A_111] : memref<768x128xf32, #tpu.memory_space<vmem>> -> memref<128x128xf32, #tpu.memory_space<vmem>>
    %dma_wait3A_113 = arith.constant 0 : i32
    %dma_wait3A_114 = tpu.memref_slice %arg5[%add3A_110, %dma_wait3A_113] : memref<819200x128xf32, #tpu.memory_space<hbm>> -> memref<128x128xf32, #tpu.memory_space<hbm>>
    %dma_wait3A_115 = arith.constant 0 : i32
    %dma_wait3A_116 = tpu.memref_slice %arg5[%add3A_110, %dma_wait3A_115] : memref<819200x128xf32, #tpu.memory_space<hbm>> -> memref<128x128xf32, #tpu.memory_space<hbm>>
    %dma_wait3A_117 = arith.constant 0 : i32
    %dma_wait3A_118 = tpu.memref_slice %arg7[%mul3A_108, %dma_wait3A_117] : memref<768x128xf32, #tpu.memory_space<vmem>> -> memref<128x128xf32, #tpu.memory_space<vmem>>
    tpu.wait_dma2 semaphore(%arg10 : memref<!tpu.dma_semaphore, #tpu.memory_space<semaphore_mem>>) src(%dma_wait3A_118 : memref<128x128xf32, #tpu.memory_space<vmem>>) dst(%dma_wait3A_116 : memref<128x128xf32, #tpu.memory_space<hbm>>)
    %rem3A_119 = arith.constant 196 : i32
    %rem3A_120 = arith.constant 6 : i32
    %rem3A_121 = arith.remsi %rem3A_119, %rem3A_120 : i32
    %mul3A_122 = arith.constant 128 : i32
    %mul3A_123 = arith.muli %rem3A_121, %mul3A_122 : i32
    %add3A_124 = arith.constant 25088 : i32
    %add3A_125 = arith.addi %mul3A_2, %add3A_124 : i32
    %dma_wait3A_126 = arith.constant 0 : i32
    %dma_wait3A_127 = tpu.memref_slice %arg7[%mul3A_123, %dma_wait3A_126] : memref<768x128xf32, #tpu.memory_space<vmem>> -> memref<128x128xf32, #tpu.memory_space<vmem>>
    %dma_wait3A_128 = arith.constant 0 : i32
    %dma_wait3A_129 = tpu.memref_slice %arg5[%add3A_125, %dma_wait3A_128] : memref<819200x128xf32, #tpu.memory_space<hbm>> -> memref<128x128xf32, #tpu.memory_space<hbm>>
    %dma_wait3A_130 = arith.constant 0 : i32
    %dma_wait3A_131 = tpu.memref_slice %arg5[%add3A_125, %dma_wait3A_130] : memref<819200x128xf32, #tpu.memory_space<hbm>> -> memref<128x128xf32, #tpu.memory_space<hbm>>
    %dma_wait3A_132 = arith.constant 0 : i32
    %dma_wait3A_133 = tpu.memref_slice %arg7[%mul3A_123, %dma_wait3A_132] : memref<768x128xf32, #tpu.memory_space<vmem>> -> memref<128x128xf32, #tpu.memory_space<vmem>>
    tpu.wait_dma2 semaphore(%arg10 : memref<!tpu.dma_semaphore, #tpu.memory_space<semaphore_mem>>) src(%dma_wait3A_133 : memref<128x128xf32, #tpu.memory_space<vmem>>) dst(%dma_wait3A_131 : memref<128x128xf32, #tpu.memory_space<hbm>>)
    %rem3A_134 = arith.constant 197 : i32
    %rem3A_135 = arith.constant 6 : i32
    %rem3A_136 = arith.remsi %rem3A_134, %rem3A_135 : i32
    %mul3A_137 = arith.constant 128 : i32
    %mul3A_138 = arith.muli %rem3A_136, %mul3A_137 : i32
    %add3A_139 = arith.constant 25216 : i32
    %add3A_140 = arith.addi %mul3A_2, %add3A_139 : i32
    %dma_wait3A_141 = arith.constant 0 : i32
    %dma_wait3A_142 = tpu.memref_slice %arg7[%mul3A_138, %dma_wait3A_141] : memref<768x128xf32, #tpu.memory_space<vmem>> -> memref<128x128xf32, #tpu.memory_space<vmem>>
    %dma_wait3A_143 = arith.constant 0 : i32
    %dma_wait3A_144 = tpu.memref_slice %arg5[%add3A_140, %dma_wait3A_143] : memref<819200x128xf32, #tpu.memory_space<hbm>> -> memref<128x128xf32, #tpu.memory_space<hbm>>
    %dma_wait3A_145 = arith.constant 0 : i32
    %dma_wait3A_146 = tpu.memref_slice %arg5[%add3A_140, %dma_wait3A_145] : memref<819200x128xf32, #tpu.memory_space<hbm>> -> memref<128x128xf32, #tpu.memory_space<hbm>>
    %dma_wait3A_147 = arith.constant 0 : i32
    %dma_wait3A_148 = tpu.memref_slice %arg7[%mul3A_138, %dma_wait3A_147] : memref<768x128xf32, #tpu.memory_space<vmem>> -> memref<128x128xf32, #tpu.memory_space<vmem>>
    tpu.wait_dma2 semaphore(%arg10 : memref<!tpu.dma_semaphore, #tpu.memory_space<semaphore_mem>>) src(%dma_wait3A_148 : memref<128x128xf32, #tpu.memory_space<vmem>>) dst(%dma_wait3A_146 : memref<128x128xf32, #tpu.memory_space<hbm>>)
    %rem3A_149 = arith.constant 198 : i32
    %rem3A_150 = arith.constant 6 : i32
    %rem3A_151 = arith.remsi %rem3A_149, %rem3A_150 : i32
    %mul3A_152 = arith.constant 128 : i32
    %mul3A_153 = arith.muli %rem3A_151, %mul3A_152 : i32
    %add3A_154 = arith.constant 25344 : i32
    %add3A_155 = arith.addi %mul3A_2, %add3A_154 : i32
    %dma_wait3A_156 = arith.constant 0 : i32
    %dma_wait3A_157 = tpu.memref_slice %arg7[%mul3A_153, %dma_wait3A_156] : memref<768x128xf32, #tpu.memory_space<vmem>> -> memref<128x128xf32, #tpu.memory_space<vmem>>
    %dma_wait3A_158 = arith.constant 0 : i32
    %dma_wait3A_159 = tpu.memref_slice %arg5[%add3A_155, %dma_wait3A_158] : memref<819200x128xf32, #tpu.memory_space<hbm>> -> memref<128x128xf32, #tpu.memory_space<hbm>>
    %dma_wait3A_160 = arith.constant 0 : i32
    %dma_wait3A_161 = tpu.memref_slice %arg5[%add3A_155, %dma_wait3A_160] : memref<819200x128xf32, #tpu.memory_space<hbm>> -> memref<128x128xf32, #tpu.memory_space<hbm>>
    %dma_wait3A_162 = arith.constant 0 : i32
    %dma_wait3A_163 = tpu.memref_slice %arg7[%mul3A_153, %dma_wait3A_162] : memref<768x128xf32, #tpu.memory_space<vmem>> -> memref<128x128xf32, #tpu.memory_space<vmem>>
    tpu.wait_dma2 semaphore(%arg10 : memref<!tpu.dma_semaphore, #tpu.memory_space<semaphore_mem>>) src(%dma_wait3A_163 : memref<128x128xf32, #tpu.memory_space<vmem>>) dst(%dma_wait3A_161 : memref<128x128xf32, #tpu.memory_space<hbm>>)
    %rem3A_164 = arith.constant 199 : i32
    %rem3A_165 = arith.constant 6 : i32
    %rem3A_166 = arith.remsi %rem3A_164, %rem3A_165 : i32
    %mul3A_167 = arith.constant 128 : i32
    %mul3A_168 = arith.muli %rem3A_166, %mul3A_167 : i32
    %add3A_169 = arith.constant 25472 : i32
    %add3A_170 = arith.addi %mul3A_2, %add3A_169 : i32
    %dma_wait3A_171 = arith.constant 0 : i32
    %dma_wait3A_172 = tpu.memref_slice %arg7[%mul3A_168, %dma_wait3A_171] : memref<768x128xf32, #tpu.memory_space<vmem>> -> memref<128x128xf32, #tpu.memory_space<vmem>>
    %dma_wait3A_173 = arith.constant 0 : i32
    %dma_wait3A_174 = tpu.memref_slice %arg5[%add3A_170, %dma_wait3A_173] : memref<819200x128xf32, #tpu.memory_space<hbm>> -> memref<128x128xf32, #tpu.memory_space<hbm>>
    %dma_wait3A_175 = arith.constant 0 : i32
    %dma_wait3A_176 = tpu.memref_slice %arg5[%add3A_170, %dma_wait3A_175] : memref<819200x128xf32, #tpu.memory_space<hbm>> -> memref<128x128xf32, #tpu.memory_space<hbm>>
    %dma_wait3A_177 = arith.constant 0 : i32
    %dma_wait3A_178 = tpu.memref_slice %arg7[%mul3A_168, %dma_wait3A_177] : memref<768x128xf32, #tpu.memory_space<vmem>> -> memref<128x128xf32, #tpu.memory_space<vmem>>
    tpu.wait_dma2 semaphore(%arg10 : memref<!tpu.dma_semaphore, #tpu.memory_space<semaphore_mem>>) src(%dma_wait3A_178 : memref<128x128xf32, #tpu.memory_space<vmem>>) dst(%dma_wait3A_176 : memref<128x128xf32, #tpu.memory_space<hbm>>)
    return
  }
}

</mosaic_0001>

<sc_bundles>
// kernel: _gather_add.3.cloned.1.call-start
scs
__scs_entry_jumppad:
0x0: {  	(pc) =	sbr.rel $0x88, $3  }
0x1: {  	(tag) =	ssettag $0x0;
	lr =	simm.s32 $0x1  }
0x2: {  	[smem:$0x3F9E] =	sst lr;
	_ =	strace $0xD0000000  }
0x3: {  	_ = 	snop  }
0x4: {  	_ = 	snop  }
0x5: {  	_ = 	snop  }
0x6: {  	_ = 	snop  }
0x7: {  	_ = 	snop  }
__scs_overlays_trampoline_lowered:
0x8: {  	[smem:$0x3FAD] =	sst s0  }
0x9: {  	[smem:$0x3FAE] =	sst s1  }
0xa: {  	[smem:$0x3FAF] =	sst s2  }
0xb: {  	[smem:$0x3FB0] =	sst s3  }
0xc: {  	[smem:$0x3FB1] =	sst s4  }
0xd: {  	[smem:$0x3FB2] =	sst s5  }
0xe: {  	[smem:$0x3FB3] =	sst s6  }
0xf: {  	[smem:$0x3FB4] =	sst s7  }
0x10: {  	[smem:$0x3FB5] =	sst s8  }
0x11: {  	[smem:$0x3FB6] =	sst s9;
	s0 =	simm.s32 @!p0 $0x0  }
0x12: {  	s1 =	sld [smem:$0x3F9C];
	s0 =	simm.s32 @p0 $0x1  }
0x13: {  	[smem:$0x3FB7] =	sst s0;
	s0 =	simm.s32 @!p1 $0x0  }
0x14: {  	s2 =	sld [smem:$0x3F9B];
	s0 =	simm.s32 @p1 $0x1  }
0x15: {  	[smem:$0x3FB8] =	sst s0;
	s0 =	simm.s32 @!p2 $0x0  }
0x16: {  	s3 =	sld [smem:$0x3FDB];
	s0 =	simm.s32 @p2 $0x1  }
0x17: {  	s4 =	simm.s32 $0x1BF5;
	[smem:$0x3FBA] =	sst s0  }
0x18: {  	s0 =	sld [smem:$0x3F9D];
	_ =	swait.ge [sflag:s4], $0x0  }
0x19: {  	s7 =	sld [smem:$0x3F9E]  }
0x1a: {  	s8 =	sadd.s32 $0xFFFFE003, lr  }
0x1b: {  	s9 =	sadd.s32 $0xFFFFFEF7, lr;
	s5 =	simm.s32 $0xFFFFFFFF;
	p2 =	slt.u32 s8, $0xFFFFF086  }
0x1c: {  	p1 =	slt.u32 s9, $0xF7A;
	s5 =	simm.s32 @!p2 $0x0  }
0x1d: {  	s5 =	simm.s32 @p1 $0x1;
	p0 =	seq.s32 s7, s2  }
0x1e: {  	s7 =	smul.u32 @!p0 $0xF7A, s2;
	p2 =	seq.s32 @!p0 s5, $0x0  }
0x1f: {  	s9 =	smul.u32 $0xF7A, s1;
	s8 =	simm.s32 @!p0 $0x1BF5;
	p2 =	por !p2, p0  }
0x20: {  	[sflag:s8] =	ssyncset.s32 @!p0 $0xFFFFF086;
	s6 =	sadd.s32 @!p0 s3, s7;
	s7 =	simm.s32 @!p0 $0x108  }
0x21: {  	s3 =	sadd.s32 s3, s9;
	s6 =	sadd.s32 @!p0 $0x88, s6;
	s7 =	simm.s32 @p2 $0x1082  }
0x22: {  	[simem:s7], [sflag:s8] =	dma.local @!p0 [hbm:s6], $0xF7A  }
0x23: {  	s9 =	sor.u32 $0xD0000000, s2;
	s6 =	simm.s32 $0x108;
	_ =	swait.ge @!p0 [sflag:s8], $0x0  }
0x24: {  	s3 =	sadd.s32 $0x88, s3;
	s6 =	simm.s32 @!p1 $0x1082;
	[sflag:s4] =	ssyncset.s32 $0xFFFFF086  }
0x25: {  	[simem:s6], [sflag:s4] =	dma.local [hbm:s3], $0xF7A  }
0x26: {  	[smem:$0x3F9E] =	sst s1;
	(tag) =	ssettag s2;
	_ =	strace s9  }
0x27: {  	s1 =	sld [smem:$0x3FAE]  }
0x28: {  	s2 =	sld [smem:$0x3FAF]  }
0x29: {  	s4 =	sld [smem:$0x3FB1]  }
0x2a: {  	p0 =	seq.s32 s5, $0x0;
	s5 =	sld [smem:$0x3FB2]  }
0x2b: {  	s6 =	sld [smem:$0x3FB3]  }
0x2c: {  	s7 =	sld [smem:$0x3FB4]  }
0x2d: {  	s3 =	simm.s32 $0x108;
	s8 =	sld [smem:$0x3FB5]  }
0x2e: {  	s3 =	simm.s32 @!p0 $0x1082;
	s9 =	sld [smem:$0x3FB6]  }
0x2f: {  	lr =	sadd.s32 s0, s3;
	s0 =	sld [smem:$0x3FAD]  }
0x30: {  	s3 =	sld [smem:$0x3FB0]  }
0x31: {  	[smem:$0x3FB9] =	sst s10  }
0x32: {  	s10 =	sld [smem:$0x3FB7];
	_ =	sdelay $0x3  }
0x33: {  	p0 =	seq.s32 s10, $0x1;
	s10 =	sld [smem:$0x3FB9];
	_ =	sdelay $0x3  }
0x34: {  	[smem:$0x3FB9] =	sst s10  }
0x35: {  	s10 =	sld [smem:$0x3FB8];
	_ =	sdelay $0x3  }
0x36: {  	p1 =	seq.s32 s10, $0x1;
	s10 =	sld [smem:$0x3FB9];
	_ =	sdelay $0x3  }
0x37: {  	[smem:$0x3FB9] =	sst s10  }
0x38: {  	s10 =	sld [smem:$0x3FBA]  }
0x39: {  	_ = 	snop;
	(pc) =	sbr.ind lr, $3  }
0x3a: {  	_ = 	snop  }
0x3b: {  	_ = 	snop  }
0x3c: {  	p2 =	seq.s32 s10, $0x1;
	s10 =	sld [smem:$0x3FB9]  }
0x3d: {  	_ =	shalt  }
0x3e: {  	_ =	shalt  }
0x3f: {  	_ =	shalt  }
0x40: {  	_ =	shalt  }
0x41: {  	_ =	shalt  }
0x42: {  	_ =	shalt  }
0x43: {  	_ =	shalt  }
0x44: {  	_ =	shalt  }
0x45: {  	_ =	shalt  }
0x46: {  	_ =	shalt  }
0x47: {  	_ =	shalt  }
0x48: {  	_ =	shalt  }
0x49: {  	_ =	shalt  }
0x4a: {  	_ =	shalt  }
0x4b: {  	_ =	shalt  }
0x4c: {  	_ =	shalt  }
0x4d: {  	_ =	shalt  }
0x4e: {  	_ =	shalt  }
0x4f: {  	_ =	shalt  }
0x50: {  	_ =	shalt  }
0x51: {  	_ =	shalt  }
0x52: {  	_ =	shalt  }
0x53: {  	_ =	shalt  }
0x54: {  	_ =	shalt  }
0x55: {  	_ =	shalt  }
0x56: {  	_ =	shalt  }
0x57: {  	_ =	shalt  }
0x58: {  	_ =	shalt  }
0x59: {  	_ =	shalt  }
0x5a: {  	_ =	shalt  }
0x5b: {  	_ =	shalt  }
0x5c: {  	_ =	shalt  }
0x5d: {  	_ =	shalt  }
0x5e: {  	_ =	shalt  }
0x5f: {  	_ =	shalt  }
0x60: {  	_ =	shalt  }
0x61: {  	_ =	shalt  }
0x62: {  	_ =	shalt  }
0x63: {  	_ =	shalt  }
0x64: {  	_ =	shalt  }
0x65: {  	_ =	shalt  }
0x66: {  	_ =	shalt  }
0x67: {  	_ =	shalt  }
0x68: {  	_ =	shalt  }
0x69: {  	_ =	shalt  }
0x6a: {  	_ =	shalt  }
0x6b: {  	_ =	shalt  }
0x6c: {  	_ =	shalt  }
0x6d: {  	_ =	shalt  }
0x6e: {  	_ =	shalt  }
0x6f: {  	_ =	shalt  }
0x70: {  	_ =	shalt  }
0x71: {  	_ =	shalt  }
0x72: {  	_ =	shalt  }
0x73: {  	_ =	shalt  }
0x74: {  	_ =	shalt  }
0x75: {  	_ =	shalt  }
0x76: {  	_ =	shalt  }
0x77: {  	_ =	shalt  }
0x78: {  	_ =	shalt  }
0x79: {  	_ =	shalt  }
0x7a: {  	_ =	shalt  }
0x7b: {  	_ =	shalt  }
0x7c: {  	_ =	shalt  }
0x7d: {  	_ =	shalt  }
0x7e: {  	_ =	shalt  }
0x7f: {  	_ =	shalt  }
0x80: {  	_ =	shalt  }
0x81: {  	_ =	shalt  }
0x82: {  	_ =	shalt  }
0x83: {  	_ =	shalt  }
0x84: {  	_ =	shalt  }
0x85: {  	_ =	shalt  }
0x86: {  	_ =	shalt  }
0x87: {  	_ =	shalt  }
.Lfunc_end0:
.L_simem_size_0:
called_computation_lowered:
.L_overlay_start_0:
0x88: {  	s2 =	sld [smem:$0x3FD9]  }
0x89: {  	s3 =	sld [smem:$0x3FFE];
	_ =	sdelay $0x1  }
0x8a: {  	s1 =	srdreg.scid  }
0x8b: {  	s0 =	sand.u32 $0x1, s1  }
0x8c: {  	s18 =	sshll.u32 s0, $0xA;
	s2 =	sadd.s32 s3, s2  }
0x8d: {  	s2 =	sadd.s32 s2, s18  }
0x8e: {  	[smem:$0x3FC5] =	sst s2  }
0x8f: {  	_ = 	snop  }
0x90: {  	s2 =	sld [smem:$0x3FC9]  }
0x91: {  	s19 =	sld [smem:$0x3FC8]  }
0x92: {  	s4 =	sld [smem:$0x3FC7]  }
0x93: {  	s5 =	sld [smem:$0x3FD0];
	(tm) =	ssettm $0x1  }
0x94: {  	s6 =	sld [smem:$0x3FFB];
	_ =	sdelay $0x3  }
0x95: {  	_ =	strace s6  }
0x96: {  	s6 =	sld [smem:$0x3FFC];
	_ =	sdelay $0x3  }
0x97: {  	_ =	strace s6  }
0x98: {  	s6 =	sld [smem:$0x3FFD];
	_ =	sdelay $0x3  }
0x99: {  	_ =	strace s6  }
0x9a: {  	_ =	strace $0x8FFFFFFF  }
0x9b: {  	s20 =	sld [smem:$0x3FDB];
	_ =	sdelay $0x1  }
0x9c: {  	s7 =	simm.s32 $_scs_section_size  }
0x9d: {  	s8 =	simm.s32 $_size__tile_overlayer_lowered;
	s9 =	simm.s32 $_tile_overlayer_lowered  }
0x9e: {  	s23 =	simm.s32 $0x1BFF;
	s22 =	sshll.u32 s9, $0x1;
	s6 =	sadd.s32 s7, s20  }
0x9f: {  	s10 =	simm.s32 $0x0;
	s21 =	sshll.u32 s8, $0x1;
	s8 =	sadd.s32 s22, s6  }
0xa0: {  	[timem:s10], [sflag:s23] =	dma.local [hbm:s8], s21  }
0xa1: {  	_ =	swait.ge [sflag:s23], s21  }
0xa2: {  	s7 =	ssub.s32 $0x0, s21;
	[sflag:s23] =	ssyncset.done $0x0  }
0xa3: {  	[sflag:s23] =	ssyncadd.s32 s7;
	_ =	sdelay $0x1  }
0xa4: {  	s24 =	simm.s32 $0x1B8B  }
0xa5: {  	_ =	swait.ge [sflag:s24], $0x1  }
0xa6: {  	[sflag:s24] =	ssyncset.done $0x0  }
0xa7: {  	s25 =	simm.s32 $0x1B8E;
	[sflag:s24] =	ssyncadd.s32 $0xFFFFFFFF  }
0xa8: {  	s26 =	simm.s32 $execute0_lowered;
	[smem:$0x3FD2] =	sst s25  }
0xa9: {  	s7 =	sshll.u32 s26, $0x1;
	_ =	strace $0x80000046;
	[dreg:$0x1] =	wrdreg $0xFFFFFFFF  }
0xaa: {  	s28 =	simm.s32 $_size_execute0_lowered;
	s6 =	sadd.s32 s6, s7;
	[dreg:$0x0] =	wrdreg $0x0  }
0xab: {  	s7 =	sshll.u32 s28, $0x1;
	[dreg:$0x2] =	wrdreg s6  }
0xac: {  	[dreg:$0x3] =	wrdreg s7  }
0xad: {  	[dreg:$0x4] =	wrdreg $0xC0  }
0xae: {  	_ =	task [dreg:s10], $0x5FFFF  }
0xaf: {  	[dreg:$0x1] =	wrdreg $0xFFFFFFFF  }
0xb0: {  	[dreg:$0x0] =	wrdreg $0x60  }
0xb1: {  	[dreg:$0x2] =	wrdreg s2  }
0xb2: {  	[dreg:$0x3] =	wrdreg s19  }
0xb3: {  	[dreg:$0x4] =	wrdreg s4  }
0xb4: {  	[dreg:$0x5] =	wrdreg s5  }
0xb5: {  	[dreg:$0x6] =	wrdreg $0x9  }
0xb6: {  	_ =	task.clear_ibuf [dreg:s10], $0x7FFFF;
	_ =	strace $0x90000046  }
0xb7: {  	s29 =	simm.s32 $0x9;
	_ =	strace $0x80000048  }
0xb8: {  	_ =	swait.ge [sflag:s29], $0x1  }
0xb9: {  	[sflag:s29] =	ssyncadd.s32 $0xFFFFFFFF  }
0xba: {  	_ =	strace $0x90000048  }
0xbb: {  	_ =	sfence  }
0xbc: {  	s30 =	sld [smem:$0x0];
	_ =	sdelay $0x2  }
0xbd: {  	s31 =	sshll.u32 s1, $0xD;
	s1 =	sshrl.u32 s1, $0x2  }
0xbe: {  	s3 =	sand.u32 $0x4000, s31;
	s1 =	sadd.s32 s1, s30  }
0xbf: {  	s0 =	sor.u32 s3, s0;
	s1 =	sshll.u32 s1, $0x11  }
0xc0: {  	s0 =	sor.u32 s1, s0  }
0xc1: {  	s0 =	sadd.s32 $0x8F2B, s0  }
0xc2: {  	[sflag:s0] =	ssyncadd.remote.s32 $0x1  }
0xc3: {  	_ =	sfence.sel $0xFFFF  }
0xc4: {  	[dreg:$0x0] =	wrdreg $0xFFFFFFFF;
	(pc) =	sbr.abs _section_cstart, $3  }
0xc5: {  	[dreg:$0x1] =	wrdreg $0xFFFFFFFF  }
0xc6: {  	_ =	task.clear_ibuf [dreg:s10], $0x2FFFF;
	_ =	strace $0x9FFFFFFF  }
0xc7: {  	(tm) =	ssettm $0x7FFFFFFF  }
tec
execute0_lowered:
.L_overlay_start_1:
0x0: {  	(tag) =	ssettag $0x1  }
0x1: {  	s1 =	rddreg [dreg:$0x0]  }
0x2: {  	s0 =	srdreg.scid;
	s3 =	stileid.u32  }
0x3: {  	s2 =	rddreg [dreg:$0x1];
	s0 =	sand.u32 $0x1, s0;
	s3 =	sshll.u32 s3, $0x1  }
0x4: {  	s5 =	rddreg [dreg:$0x3];
	s3 =	sor.u32 s0, s3  }
0x5: {  	s7 =	simm.s32 $0x0;
	s11 =	simm.s32 $0x4;
	s6 =	smul.u32 $0x6400, s3  }
.Ltmp0:
0x6: {  	s13 =	simm.s32 $0x80;
	s17 =	simm.s32 $0x1;
	(pc) =	sbr.rel .LBB2_1-.Ltmp0, $4  }
0x7: {  	s18 =	simm.s32 $0x2;
	s0 =	ssub.s32 $0x2, s0;
	s4 =	sshrl.u32 s6, $0x3  }
0x8: {  	s19 =	simm.s32 $0x0;
	s30 =	sshrl.u32 s0, $0x1;
	s8 =	sadd.s32 s1, s4  }
0x9: {  	[smem:$0x7FF] =	sst s7;
	s0 =	ssub.s32 s0, s30;
	s31 =	sadd.s32 $0x190, s8  }
0xa: {  	_ =	strace $0x80000047;
	s10 =	smax.u32 s0, $0x1;
	[dreg:$0x5] =	wrdreg s31  }
.LBB2_9:
0xb: {  	_ =	swait.ge [sflag:s18], $0x4000  }
0xc: {  	[sflag:s18] =	ssyncset.done $0x0  }
0xd: {  	[sflag:s18] =	ssyncadd.s32 $0xFFFFC000  }
0xe: {  	_ =	swait.ge [sflag:s18], $0x4000  }
0xf: {  	[sflag:s18] =	ssyncset.done $0x0  }
0x10: {  	[sflag:s18] =	ssyncadd.s32 $0xFFFFC000  }
0x11: {  	_ =	swait.ge [sflag:s18], $0x4000  }
0x12: {  	[sflag:s18] =	ssyncset.done $0x0  }
0x13: {  	[sflag:s18] =	ssyncadd.s32 $0xFFFFC000  }
0x14: {  	_ =	swait.ge [sflag:s18], $0x4000  }
0x15: {  	[sflag:s18] =	ssyncset.done $0x0  }
0x16: {  	s19 =	sadd.s32 $0x1, s19;
	[sflag:s18] =	ssyncadd.s32 $0xFFFFC000  }
0x17: {  	p0 =	sne.s32 s19, s10;
	_ =	swait.ge [sflag:s18], $0x4000  }
.Ltmp1:
0x18: {  	[sflag:s18] =	ssyncset.done $0x0;
	(pc) =	sbr.rel @!p0 .LBB2_10-.Ltmp1, $4  }
0x19: {  	[sflag:s18] =	ssyncadd.s32 $0xFFFFC000  }
0x1a: {  	_ =	swait.ge [sflag:s18], $0x4000  }
0x1b: {  	[sflag:s18] =	ssyncset.done $0x0  }
0x1c: {  	[sflag:s18] =	ssyncadd.s32 $0xFFFFC000  }
.LBB2_1:
0x1d: {  	s20 =	simm.s32 $0x19900;
	s0 =	rddreg [dreg:$0x2]  }
0x1e: {  	[tilespmem:s20], [sflag:$0x4] =	stream.linear.gather [hbm4b:s0+s7], $0x6400, $0x38;
	[tilespmem:$0x1FD00] =	vst v63  }
0x1f: {  	_ =	swait.ge [sflag:s11], $0x6400  }
0x20: {  	[sflag:s11] =	ssyncset.done $0x0  }
0x21: {  	[sflag:s11] =	ssyncadd.s32 $0xFFFF9C00  }
0x22: {  	[tilespmem:s7], [sflag:$0x4] =	stream.linear.gather [hbm4b:s8+s7], $0xC80, $0x38;
	[tilespmem:$0x1FD00] =	vst v63  }
0x23: {  	_ =	swait.ge [sflag:s11], $0xC80  }
0x24: {  	[sflag:s11] =	ssyncset.done $0x0  }
0x25: {  	s3 =	simm.s32 $0xC80;
	s28 =	rddreg [dreg:$0x5];
	[sflag:s11] =	ssyncadd.s32 $0xFFFFF380  }
0x26: {  	[tilespmem:s3], [sflag:$0x3] =	stream.linear.gather [hbm4b:s28+s7], $0xC80, $0x38;
	[tilespmem:$0x1FD00] =	vst v63  }
0x27: {  	s21 =	simm.s32 $0x1900  }
0x28: {  	[tilespmem:s21], [sflag:$0x1] =	stream.indirect.gather [hbm4b:s2+s13], $0x80, s7, s13, $0xb8;
	[tilespmem:$0x1FD00] =	vst v63  }
.Ltmp2:
0x29: {  	s29 =	simm.s32 $0x5900;
	(pc) =	sbr.rel .LBB2_2-.Ltmp2, $4  }
0x2a: {  	s30 =	simm.s32 $0x100;
	s31 =	simm.s32 $0x9900;
	s22 =	simm.s32 $0xC8  }
0x2b: {  	[tilespmem:s29], [sflag:$0x1] =	stream.indirect.gather [hbm4b:s2+s13], $0x80, s13, s13, $0xb8;
	[tilespmem:$0x1FD00] =	vst v63  }
0x2c: {  	s23 =	simm.s32 $0x0;
	s24 =	simm.s32 $0x0;
	s25 =	simm.s32 $0x0  }
0x2d: {  	[tilespmem:s31], [sflag:$0x1] =	stream.indirect.gather [hbm4b:s2+s13], $0x80, s30, s13, $0xb8;
	[tilespmem:$0x1FD00] =	vst v63  }
.LBB2_7:
0x2e: {  	_ =	sdelay $0x2  }
0x2f: {  	[tilespmem:s3+$0x160] =	vst.add.f32.msk $0xffff, v3  }
0x30: {  	v0 =	vld.idx.msk [tilespmem:v0+s0+$0xFFFF9D70 ss:$0x1], $0xffff;
	_ =	sdelay $0x2  }
0x31: {  	[tilespmem:s3+$0x70] =	vst.add.f32.msk $0xffff, v2  }
0x32: {  	[tilespmem:s3+$0xF0] =	vst.add.f32.msk $0xffff, v1  }
0x33: {  	[tilespmem:s3+$0x170] =	vst.add.f32.msk $0xffff, v0  }
.LBB2_8:
0x34: {  	s25 =	sadd.s32 $0x1, s25  }
0x35: {  	p0 =	sne.s32 s25, $0xC8  }
.Ltmp3:
0x36: {  	_ = 	snop;
	(pc) =	sbr.rel @!p0 .LBB2_9-.Ltmp3, $4  }
0x37: {  	s0 =	sadd.s32 s6, s26;
	s24 =	sadd.s32 $0x10000, s24  }
0x38: {  	s23 =	sadd.s32 $0x80, s23;
	s22 =	sadd.s32 $0xFFFFFF80, s22;
	s0 =	sshll.u32 s0, $0x4  }
0x39: {  	s21 =	sadd.s32 $0x4000, s21;
	s20 =	sadd.s32 $0x4000, s20;
	s0 =	sadd.s32 s5, s0  }
0x3a: {  	[hbm4b:s0+s7] =	stream.linear.scatter [tilespmem:s29], [sflag:$0x2], $0x4000, $0x38;
	[tilespmem:$0x1FD00] =	vst v63  }
.LBB2_2:
0x3b: {  	p0 =	sgt.u32 s25, $0xC4  }
0x3c: {  	s16 =	smulhi.u32 $0xAAAAAAAB, s25;
	s3 =	sadd.s32 @!p0 $0x3, s25  }
0x3d: {  	s9 =	smulhi.u32 $0x51EB851F, s23;
	s4 =	sand.u32 @!p0 $0xFF, s3  }
0x3e: {  	s16 =	sshrl.u32 s16, $0x2;
	s0 =	smul.u32 @!p0 $0x29, s4  }
0x3f: {  	s29 =	smul.u32 $0x60000, s16  }
0x40: {  	_ =	swait.ge [sflag:s17], $0x4000;
	p3 =	slt.u32 @!p0 s25, $0x3;
	s4 =	smul.u32 @!p0 $0xAB, s4  }
0x41: {  	[sflag:s17] =	ssyncset.done $0x0;
	s16 =	smul.u32 $0xFFFA0000, s16;
	s12 =	sshrl.u32 @!p0 s0, $0xA  }
0x42: {  	p5 =	por p3, p0;
	s0 =	sshrl.u32 s9, $0x6;
	s9 =	smul.u32 @!p0 $0x19, s12  }
0x43: {  	[sflag:s17] =	ssyncadd.s32 $0xFFFFC000;
	s26 =	simm.s32 @!p5 $0x2;
	s14 =	smul.u32 $0xC8, s0  }
0x44: {  	_ =	swait.ge @!p5 [sflag:s26], $0x4000;
	s4 =	sshrl.u32 @!p0 s4, $0xA;
	s31 =	smul.u32 $0x19000, s0  }
0x45: {  	[sflag:s26] =	ssyncset.done @!p5 $0x0;
	s4 =	smul.u32 @!p0 $0x6, s4;
	s9 =	ssub.s32 @!p0 s3, s9  }
0x46: {  	[sflag:s26] =	ssyncadd.s32 @!p5 $0xFFFFC000;
	s0 =	smul.u32 $0xFFFE7000, s0;
	s9 =	sand.u32 @!p0 $0xFF, s9  }
0x47: {  	s14 =	sadd.s32 s14, s22;
	s3 =	ssub.s32 @!p0 s3, s4;
	p2 =	sne.s32 @!p0 s9, $0x0  }
0x48: {  	s4 =	simm.s32 @!p0 $0x19;
	s0 =	sshra.s32 s0, $0x2;
	p1 =	por p2, p0  }
0x49: {  	s14 =	smin.u32 s14, $0x80;
	s3 =	sand.u32 @!p0 $0xFF, s3;
	p4 =	sgt.u32 @!p1 s25, $0xAB  }
0x4a: {  	s15 =	sshll.u32 s14, $0x9;
	s26 =	simm.s32 @!p1 $0x3;
	p3 =	por @!p0 p4, p2  }
0x4b: {  	s3 =	sshll.u32 @!p0 s3, $0xE;
	_ =	swait.ge @!p1 [sflag:s26], $0xC80;
	p3 =	por p3, p0  }
0x4c: {  	s3 =	sor.u32 @!p0 $0x1900, s3;
	[sflag:s26] =	ssyncset.done @!p1 $0x0;
	s28 =	sadd.s32 @!p3 $0x1, s12  }
0x4d: {  	[sflag:s26] =	ssyncadd.s32 @!p1 $0xFFFFF380;
	s30 =	sand.u32 @!p3 $0x1, s28;
	s28 =	smul.u32 @!p3 $0xC80, s28  }
0x4e: {  	s12 =	sand.u32 @!p0 $0x1, s12;
	p5 =	seq.s32 @!p3 s30, $0x1;
	s30 =	simm.s32 @!p3 $0xC80  }
0x4f: {  	p4 =	por @!p1 !p5, p4;
	s28 =	sadd.s32 @!p3 s6, s28;
	p1 =	seq.s32 @!p0 s12, $0x1  }
0x50: {  	s12 =	sshll.u32 s25, $0x4;
	p2 =	por @!p0 !p4, p2;
	s26 =	sshrl.u32 @!p3 s28, $0x3  }
0x51: {  	s28 =	simm.s32 @!p3 $0x0;
	p1 =	por !p1, p0;
	p2 =	por !p2, p0  }
0x52: {  	s26 =	sadd.s32 @!p3 s1, s26;
	s4 =	simm.s32 @p1 $0x0;
	s30 =	simm.s32 @p2 $0x0  }
0x53: {  	s4 =	sadd.s32 @!p0 s9, s4;
	s9 =	sand.u32 $0x1FF0, s12;
	s12 =	simm.s32 @!p0 $0x80  }
0x54: {  	[tilespmem:s30], [sflag:$0x3] =	stream.linear.gather @!p3 [hbm4b:s26+s28], $0xC80, $0x38;
	[tilespmem:$0x1FD00] =	vst v63  }
0x55: {  	s26 =	ssub.s32 s15, s29;
	s28 =	smul.u32 $0xAB, s25;
	s4 =	sshll.u32 @!p0 s4, $0x7  }
0x56: {  	[tilespmem:s3], [sflag:$0x1] =	stream.indirect.gather @!p0 [hbm4b:s2+s12], $0x80, s4, s12, $0xb8;
	[tilespmem:$0x1FD00] =	vst v63  }
0x57: {  	s4 =	ssub.s32 s15, s31;
	s15 =	sshra.s32 s16, $0x2;
	s16 =	sadd.s32 $0x19900, s0  }
0x58: {  	s30 =	sadd.s32 $0xFFFFFFFC, s14;
	s14 =	sshra.s32 s26, $0x2;
	s26 =	sshrl.u32 s28, $0xA;
	v0 =	vmov s16  }
0x59: {  	s26 =	sand.u32 $0x3F, s26  }
0x5a: {  	s12 =	smul.u32 $0x6, s26;
	_ =	sdelay $0x1  }
0x5b: {  	s3 =	sshra.s32 s4, $0x2;
	s4 =	ssub.s32 s25, s12;
	s12 =	sshra.s32 s24, $0x2  }
0x5c: {  	v1 =	vld.idx.msk [tilespmem:v0+s12+$0x180 ss:$0x1], $0xffff  }
0x5d: {  	v2 =	vld.idx.msk [tilespmem:v0+s12+$0x0 ss:$0x1], $0xffff  }
0x5e: {  	v3 =	vld.idx.msk [tilespmem:v0+s12+$0x80 ss:$0x1], $0xffff  }
0x5f: {  	s0 =	sor.u32 $0x1900, s15  }
0x60: {  	s28 =	sadd.s32 s14, s21;
	s14 =	sadd.s32 s12, s0;
	v4 =	vld.idx.msk [tilespmem:v0+s12+$0x100 ss:$0x1], $0xffff  }
0x61: {  	[tilespmem:s14+$0x180] =	vst.add.f32.msk $0xffff, v1  }
0x62: {  	[tilespmem:s14+$0x0] =	vst.add.f32.msk $0xffff, v2  }
0x63: {  	[tilespmem:s14+$0x80] =	vst.add.f32.msk $0xffff, v3  }
0x64: {  	v1 =	vld.idx.msk [tilespmem:v0+s12+$0x190 ss:$0x1], $0xffff  }
0x65: {  	v2 =	vld.idx.msk [tilespmem:v0+s12+$0x10 ss:$0x1], $0xffff  }
0x66: {  	v3 =	vld.idx.msk [tilespmem:v0+s12+$0x90 ss:$0x1], $0xffff  }
0x67: {  	[tilespmem:s14+$0x100] =	vst.add.f32.msk $0xffff, v4  }
0x68: {  	v4 =	vld.idx.msk [tilespmem:v0+s12+$0x110 ss:$0x1], $0xffff  }
0x69: {  	[tilespmem:s14+$0x190] =	vst.add.f32.msk $0xffff, v1  }
0x6a: {  	[tilespmem:s14+$0x10] =	vst.add.f32.msk $0xffff, v2  }
0x6b: {  	[tilespmem:s14+$0x90] =	vst.add.f32.msk $0xffff, v3  }
0x6c: {  	v1 =	vld.idx.msk [tilespmem:v0+s12+$0x1A0 ss:$0x1], $0xffff  }
0x6d: {  	v2 =	vld.idx.msk [tilespmem:v0+s12+$0x20 ss:$0x1], $0xffff  }
0x6e: {  	v3 =	vld.idx.msk [tilespmem:v0+s12+$0xA0 ss:$0x1], $0xffff  }
0x6f: {  	[tilespmem:s14+$0x110] =	vst.add.f32.msk $0xffff, v4  }
0x70: {  	v4 =	vld.idx.msk [tilespmem:v0+s12+$0x120 ss:$0x1], $0xffff  }
0x71: {  	[tilespmem:s14+$0x1A0] =	vst.add.f32.msk $0xffff, v1  }
0x72: {  	[tilespmem:s14+$0x20] =	vst.add.f32.msk $0xffff, v2  }
0x73: {  	[tilespmem:s14+$0xA0] =	vst.add.f32.msk $0xffff, v3  }
0x74: {  	v1 =	vld.idx.msk [tilespmem:v0+s12+$0x1B0 ss:$0x1], $0xffff  }
0x75: {  	v2 =	vld.idx.msk [tilespmem:v0+s12+$0x30 ss:$0x1], $0xffff  }
0x76: {  	v3 =	vld.idx.msk [tilespmem:v0+s12+$0xB0 ss:$0x1], $0xffff  }
0x77: {  	[tilespmem:s14+$0x120] =	vst.add.f32.msk $0xffff, v4  }
0x78: {  	v4 =	vld.idx.msk [tilespmem:v0+s12+$0x130 ss:$0x1], $0xffff  }
0x79: {  	[tilespmem:s14+$0x1B0] =	vst.add.f32.msk $0xffff, v1  }
0x7a: {  	[tilespmem:s14+$0x30] =	vst.add.f32.msk $0xffff, v2  }
0x7b: {  	[tilespmem:s14+$0xB0] =	vst.add.f32.msk $0xffff, v3  }
0x7c: {  	v1 =	vld.idx.msk [tilespmem:v0+s12+$0x1C0 ss:$0x1], $0xffff  }
0x7d: {  	v2 =	vld.idx.msk [tilespmem:v0+s12+$0x40 ss:$0x1], $0xffff  }
0x7e: {  	v3 =	vld.idx.msk [tilespmem:v0+s12+$0xC0 ss:$0x1], $0xffff  }
0x7f: {  	[tilespmem:s14+$0x130] =	vst.add.f32.msk $0xffff, v4  }
0x80: {  	v4 =	vld.idx.msk [tilespmem:v0+s12+$0x140 ss:$0x1], $0xffff  }
0x81: {  	[tilespmem:s14+$0x1C0] =	vst.add.f32.msk $0xffff, v1  }
0x82: {  	[tilespmem:s14+$0x40] =	vst.add.f32.msk $0xffff, v2  }
0x83: {  	[tilespmem:s14+$0xC0] =	vst.add.f32.msk $0xffff, v3  }
0x84: {  	v1 =	vld.idx.msk [tilespmem:v0+s12+$0x1D0 ss:$0x1], $0xffff  }
0x85: {  	v2 =	vld.idx.msk [tilespmem:v0+s12+$0x50 ss:$0x1], $0xffff  }
0x86: {  	[tilespmem:s14+$0x140] =	vst.add.f32.msk $0xffff, v4  }
0x87: {  	v3 =	vld.idx.msk [tilespmem:v0+s12+$0xD0 ss:$0x1], $0xffff  }
0x88: {  	v4 =	vld.idx.msk [tilespmem:v0+s12+$0x150 ss:$0x1], $0xffff  }
0x89: {  	s9 =	smul.u32 $0x147B, s9;
	[tilespmem:s14+$0x1D0] =	vst.add.f32.msk $0xffff, v1  }
0x8a: {  	[tilespmem:s14+$0x50] =	vst.add.f32.msk $0xffff, v2  }
0x8b: {  	s9 =	sshrl.u32 s9, $0x11;
	v1 =	vld.idx.msk [tilespmem:v0+s12+$0x1E0 ss:$0x1], $0xffff  }
0x8c: {  	s9 =	smul.u32 $0xC8, s9;
	[tilespmem:s14+$0xD0] =	vst.add.f32.msk $0xffff, v3  }
0x8d: {  	s26 =	sshll.u32 s25, $0x7;
	[tilespmem:s14+$0x150] =	vst.add.f32.msk $0xffff, v4  }
0x8e: {  	s31 =	sadd.s32 s3, s20;
	s3 =	ssub.s32 s26, s9;
	v2 =	vld.idx.msk [tilespmem:v0+s12+$0x60 ss:$0x1], $0xffff  }
0x8f: {  	s9 =	sand.u32 $0xFFF8, s3;
	s4 =	sand.u32 $0xFF, s4;
	v5 =	vld.idx.msk [tilespmem:v0+s12+$0xE0 ss:$0x1], $0xffff  }
0x90: {  	s9 =	ssub.s32 $0xC8, s9;
	s4 =	sshll.u32 s4, $0xE;
	[tilespmem:s14+$0x1E0] =	vst.add.f32.msk $0xffff, v1  }
0x91: {  	s29 =	sor.u32 $0x1900, s4;
	s4 =	smin.u32 s9, $0x80;
	v1 =	vld.idx.msk [tilespmem:v0+s12+$0x1F0 ss:$0x1], $0xffff  }
0x92: {  	p0 =	sgt.u32 s4, $0x4;
	v3 =	vld.idx.msk [tilespmem:v0+s12+$0x160 ss:$0x1], $0xffff  }
.Ltmp4:
0x93: {  	[tilespmem:s14+$0x60] =	vst.add.f32.msk $0xffff, v2;
	(pc) =	sbr.rel @!p0 .LBB2_4-.Ltmp4, $4  }
0x94: {  	[tilespmem:s14+$0xE0] =	vst.add.f32.msk $0xffff, v5  }
0x95: {  	v2 =	vld.idx.msk [tilespmem:v0+s12+$0x70 ss:$0x1], $0xffff  }
0x96: {  	[tilespmem:s14+$0x1F0] =	vst.add.f32.msk $0xffff, v1  }
0x97: {  	s15 =	simm.s32 $0x4;
	s16 =	sadd.s32 $0x800, s24;
	v1 =	vld.idx.msk [tilespmem:v0+s12+$0xF0 ss:$0x1], $0xffff  }
.LBB2_3:
0x98: {  	s9 =	sshra.s32 s16, $0x2;
	s15 =	sadd.s32 $0x4, s15;
	[tilespmem:s14+$0x160] =	vst.add.f32.msk $0xffff, v3  }
0x99: {  	v3 =	vld.idx.msk [tilespmem:v0+s9+$0x180 ss:$0x1], $0xffff;
	p0 =	slt.u32 s15, s4  }
0x9a: {  	v4 =	vld.idx.msk [tilespmem:v0+s9+$0x0 ss:$0x1], $0xffff  }
0x9b: {  	v5 =	vld.idx.msk [tilespmem:v0+s9+$0x80 ss:$0x1], $0xffff  }
0x9c: {  	v6 =	vld.idx.msk [tilespmem:v0+s9+$0x100 ss:$0x1], $0xffff  }
0x9d: {  	v7 =	vld.idx.msk [tilespmem:v0+s12+$0x170 ss:$0x1], $0xffff;
	s12 =	smov.u32 s9  }
0x9e: {  	s9 =	sadd.s32 s12, s0;
	[tilespmem:s14+$0x70] =	vst.add.f32.msk $0xffff, v2  }
0x9f: {  	[tilespmem:s9+$0x180] =	vst.add.f32.msk $0xffff, v3  }
0xa0: {  	v2 =	vld.idx.msk [tilespmem:v0+s12+$0x190 ss:$0x1], $0xffff  }
0xa1: {  	[tilespmem:s9+$0x0] =	vst.add.f32.msk $0xffff, v4  }
0xa2: {  	[tilespmem:s9+$0x80] =	vst.add.f32.msk $0xffff, v5  }
0xa3: {  	[tilespmem:s9+$0x100] =	vst.add.f32.msk $0xffff, v6  }
0xa4: {  	v3 =	vld.idx.msk [tilespmem:v0+s12+$0x10 ss:$0x1], $0xffff  }
0xa5: {  	v4 =	vld.idx.msk [tilespmem:v0+s12+$0x90 ss:$0x1], $0xffff  }
0xa6: {  	[tilespmem:s9+$0x190] =	vst.add.f32.msk $0xffff, v2  }
0xa7: {  	v2 =	vld.idx.msk [tilespmem:v0+s12+$0x1A0 ss:$0x1], $0xffff  }
0xa8: {  	v5 =	vld.idx.msk [tilespmem:v0+s12+$0x110 ss:$0x1], $0xffff  }
0xa9: {  	[tilespmem:s14+$0xF0] =	vst.add.f32.msk $0xffff, v1  }
0xaa: {  	[tilespmem:s9+$0x10] =	vst.add.f32.msk $0xffff, v3  }
0xab: {  	[tilespmem:s9+$0x90] =	vst.add.f32.msk $0xffff, v4  }
0xac: {  	v1 =	vld.idx.msk [tilespmem:v0+s12+$0x20 ss:$0x1], $0xffff  }
0xad: {  	[tilespmem:s9+$0x1A0] =	vst.add.f32.msk $0xffff, v2  }
0xae: {  	v2 =	vld.idx.msk [tilespmem:v0+s12+$0x1B0 ss:$0x1], $0xffff  }
0xaf: {  	[tilespmem:s9+$0x110] =	vst.add.f32.msk $0xffff, v5  }
0xb0: {  	v3 =	vld.idx.msk [tilespmem:v0+s12+$0xA0 ss:$0x1], $0xffff  }
0xb1: {  	v4 =	vld.idx.msk [tilespmem:v0+s12+$0x120 ss:$0x1], $0xffff  }
0xb2: {  	[tilespmem:s9+$0x20] =	vst.add.f32.msk $0xffff, v1  }
0xb3: {  	v1 =	vld.idx.msk [tilespmem:v0+s12+$0x30 ss:$0x1], $0xffff  }
0xb4: {  	[tilespmem:s9+$0x1B0] =	vst.add.f32.msk $0xffff, v2  }
0xb5: {  	v2 =	vld.idx.msk [tilespmem:v0+s12+$0x1C0 ss:$0x1], $0xffff  }
0xb6: {  	[tilespmem:s9+$0xA0] =	vst.add.f32.msk $0xffff, v3  }
0xb7: {  	[tilespmem:s9+$0x120] =	vst.add.f32.msk $0xffff, v4  }
0xb8: {  	v3 =	vld.idx.msk [tilespmem:v0+s12+$0xB0 ss:$0x1], $0xffff  }
0xb9: {  	v4 =	vld.idx.msk [tilespmem:v0+s12+$0x130 ss:$0x1], $0xffff  }
0xba: {  	[tilespmem:s9+$0x30] =	vst.add.f32.msk $0xffff, v1  }
0xbb: {  	[tilespmem:s9+$0x1C0] =	vst.add.f32.msk $0xffff, v2  }
0xbc: {  	v1 =	vld.idx.msk [tilespmem:v0+s12+$0x1D0 ss:$0x1], $0xffff  }
0xbd: {  	v2 =	vld.idx.msk [tilespmem:v0+s12+$0x40 ss:$0x1], $0xffff  }
0xbe: {  	[tilespmem:s9+$0xB0] =	vst.add.f32.msk $0xffff, v3  }
0xbf: {  	[tilespmem:s9+$0x130] =	vst.add.f32.msk $0xffff, v4  }
0xc0: {  	v3 =	vld.idx.msk [tilespmem:v0+s12+$0xC0 ss:$0x1], $0xffff  }
0xc1: {  	v4 =	vld.idx.msk [tilespmem:v0+s12+$0x140 ss:$0x1], $0xffff  }
0xc2: {  	[tilespmem:s9+$0x1D0] =	vst.add.f32.msk $0xffff, v1  }
0xc3: {  	v1 =	vld.idx.msk [tilespmem:v0+s12+$0x1E0 ss:$0x1], $0xffff  }
0xc4: {  	[tilespmem:s9+$0x40] =	vst.add.f32.msk $0xffff, v2  }
0xc5: {  	v2 =	vld.idx.msk [tilespmem:v0+s12+$0x50 ss:$0x1], $0xffff  }
0xc6: {  	[tilespmem:s9+$0xC0] =	vst.add.f32.msk $0xffff, v3  }
0xc7: {  	[tilespmem:s9+$0x140] =	vst.add.f32.msk $0xffff, v4  }
0xc8: {  	v3 =	vld.idx.msk [tilespmem:v0+s12+$0xD0 ss:$0x1], $0xffff  }
0xc9: {  	[tilespmem:s9+$0x1E0] =	vst.add.f32.msk $0xffff, v1  }
0xca: {  	v1 =	vld.idx.msk [tilespmem:v0+s12+$0x1F0 ss:$0x1], $0xffff  }
0xcb: {  	v4 =	vld.idx.msk [tilespmem:v0+s12+$0x150 ss:$0x1], $0xffff  }
0xcc: {  	[tilespmem:s9+$0x50] =	vst.add.f32.msk $0xffff, v2  }
0xcd: {  	v2 =	vld.idx.msk [tilespmem:v0+s12+$0x60 ss:$0x1], $0xffff  }
0xce: {  	[tilespmem:s9+$0xD0] =	vst.add.f32.msk $0xffff, v3  }
0xcf: {  	v5 =	vld.idx.msk [tilespmem:v0+s12+$0xE0 ss:$0x1], $0xffff  }
0xd0: {  	[tilespmem:s9+$0x1F0] =	vst.add.f32.msk $0xffff, v1  }
0xd1: {  	[tilespmem:s9+$0x150] =	vst.add.f32.msk $0xffff, v4  }
0xd2: {  	v3 =	vld.idx.msk [tilespmem:v0+s12+$0x160 ss:$0x1], $0xffff  }
.Ltmp5:
0xd3: {  	[tilespmem:s9+$0x60] =	vst.add.f32.msk $0xffff, v2;
	(pc) =	sbr.rel @p0 .LBB2_3-.Ltmp5, $4  }
0xd4: {  	v2 =	vld.idx.msk [tilespmem:v0+s12+$0x70 ss:$0x1], $0xffff  }
0xd5: {  	[tilespmem:s9+$0xE0] =	vst.add.f32.msk $0xffff, v5  }
0xd6: {  	v1 =	vld.idx.msk [tilespmem:v0+s12+$0xF0 ss:$0x1], $0xffff  }
0xd7: {  	s16 =	sadd.s32 $0x800, s16;
	[tilespmem:s14+$0x170] =	vst.add.f32.msk $0xffff, v7;
	s14 =	smov.u32 s9  }
.LBB2_4:
0xd8: {  	_ =	sdelay $0x2  }
0xd9: {  	[tilespmem:s14+$0x160] =	vst.add.f32.msk $0xffff, v3;
	s0 =	sand.u32 $0xFFFF, s3  }
0xda: {  	v0 =	vld.idx.msk [tilespmem:v0+s12+$0x170 ss:$0x1], $0xffff;
	p0 =	sgt.u32 s0, $0x48  }
.Ltmp6:
0xdb: {  	_ = 	snop;
	(pc) =	sbr.rel @!p0 .LBB2_8-.Ltmp6, $4  }
0xdc: {  	_ = 	snop  }
0xdd: {  	[tilespmem:s14+$0x70] =	vst.add.f32.msk $0xffff, v2  }
0xde: {  	[tilespmem:s14+$0xF0] =	vst.add.f32.msk $0xffff, v1  }
0xdf: {  	[tilespmem:s14+$0x170] =	vst.add.f32.msk $0xffff, v0  }
0xe0: {  	v0 =	vmov s31;
	_ =	sdelay $0x3  }
0xe1: {  	s0 =	simm.s32 $0x0  }
0xe2: {  	v1 =	vld.idx.msk [tilespmem:v0+s0+$0xFFFF9D80 ss:$0x1], $0xffff  }
0xe3: {  	v2 =	vld.idx.msk [tilespmem:v0+s0+$0xFFFF9C00 ss:$0x1], $0xffff  }
0xe4: {  	v3 =	vld.idx.msk [tilespmem:v0+s0+$0xFFFF9C80 ss:$0x1], $0xffff;
	_ =	sdelay $0x1  }
0xe5: {  	s3 =	sadd.s32 $0x0, s28;
	v4 =	vld.idx.msk [tilespmem:v0+s0+$0xFFFF9D00 ss:$0x1], $0xffff  }
0xe6: {  	[tilespmem:s3+$0x180] =	vst.add.f32.msk $0xffff, v1  }
0xe7: {  	[tilespmem:s3+$0x0] =	vst.add.f32.msk $0xffff, v2  }
0xe8: {  	[tilespmem:s3+$0x80] =	vst.add.f32.msk $0xffff, v3  }
0xe9: {  	v1 =	vld.idx.msk [tilespmem:v0+s0+$0xFFFF9D90 ss:$0x1], $0xffff  }
0xea: {  	v2 =	vld.idx.msk [tilespmem:v0+s0+$0xFFFF9C10 ss:$0x1], $0xffff  }
0xeb: {  	v3 =	vld.idx.msk [tilespmem:v0+s0+$0xFFFF9C90 ss:$0x1], $0xffff  }
0xec: {  	[tilespmem:s3+$0x100] =	vst.add.f32.msk $0xffff, v4  }
0xed: {  	v4 =	vld.idx.msk [tilespmem:v0+s0+$0xFFFF9D10 ss:$0x1], $0xffff  }
0xee: {  	[tilespmem:s3+$0x190] =	vst.add.f32.msk $0xffff, v1  }
0xef: {  	[tilespmem:s3+$0x10] =	vst.add.f32.msk $0xffff, v2  }
0xf0: {  	[tilespmem:s3+$0x90] =	vst.add.f32.msk $0xffff, v3  }
0xf1: {  	v1 =	vld.idx.msk [tilespmem:v0+s0+$0xFFFF9DA0 ss:$0x1], $0xffff  }
0xf2: {  	v2 =	vld.idx.msk [tilespmem:v0+s0+$0xFFFF9C20 ss:$0x1], $0xffff  }
0xf3: {  	v3 =	vld.idx.msk [tilespmem:v0+s0+$0xFFFF9CA0 ss:$0x1], $0xffff  }
0xf4: {  	[tilespmem:s3+$0x110] =	vst.add.f32.msk $0xffff, v4  }
0xf5: {  	v4 =	vld.idx.msk [tilespmem:v0+s0+$0xFFFF9D20 ss:$0x1], $0xffff  }
0xf6: {  	[tilespmem:s3+$0x1A0] =	vst.add.f32.msk $0xffff, v1  }
0xf7: {  	[tilespmem:s3+$0x20] =	vst.add.f32.msk $0xffff, v2  }
0xf8: {  	[tilespmem:s3+$0xA0] =	vst.add.f32.msk $0xffff, v3  }
0xf9: {  	v1 =	vld.idx.msk [tilespmem:v0+s0+$0xFFFF9DB0 ss:$0x1], $0xffff  }
0xfa: {  	v2 =	vld.idx.msk [tilespmem:v0+s0+$0xFFFF9C30 ss:$0x1], $0xffff  }
0xfb: {  	v3 =	vld.idx.msk [tilespmem:v0+s0+$0xFFFF9CB0 ss:$0x1], $0xffff  }
0xfc: {  	[tilespmem:s3+$0x120] =	vst.add.f32.msk $0xffff, v4  }
0xfd: {  	v4 =	vld.idx.msk [tilespmem:v0+s0+$0xFFFF9D30 ss:$0x1], $0xffff  }
0xfe: {  	[tilespmem:s3+$0x1B0] =	vst.add.f32.msk $0xffff, v1  }
0xff: {  	[tilespmem:s3+$0x30] =	vst.add.f32.msk $0xffff, v2  }
0x100: {  	[tilespmem:s3+$0xB0] =	vst.add.f32.msk $0xffff, v3  }
0x101: {  	v1 =	vld.idx.msk [tilespmem:v0+s0+$0xFFFF9DC0 ss:$0x1], $0xffff  }
0x102: {  	v2 =	vld.idx.msk [tilespmem:v0+s0+$0xFFFF9C40 ss:$0x1], $0xffff  }
0x103: {  	v3 =	vld.idx.msk [tilespmem:v0+s0+$0xFFFF9CC0 ss:$0x1], $0xffff  }
0x104: {  	[tilespmem:s3+$0x130] =	vst.add.f32.msk $0xffff, v4  }
0x105: {  	v4 =	vld.idx.msk [tilespmem:v0+s0+$0xFFFF9D40 ss:$0x1], $0xffff  }
0x106: {  	[tilespmem:s3+$0x1C0] =	vst.add.f32.msk $0xffff, v1  }
0x107: {  	[tilespmem:s3+$0x40] =	vst.add.f32.msk $0xffff, v2  }
0x108: {  	[tilespmem:s3+$0xC0] =	vst.add.f32.msk $0xffff, v3  }
0x109: {  	v1 =	vld.idx.msk [tilespmem:v0+s0+$0xFFFF9DD0 ss:$0x1], $0xffff  }
0x10a: {  	v2 =	vld.idx.msk [tilespmem:v0+s0+$0xFFFF9C50 ss:$0x1], $0xffff  }
0x10b: {  	[tilespmem:s3+$0x140] =	vst.add.f32.msk $0xffff, v4  }
0x10c: {  	v3 =	vld.idx.msk [tilespmem:v0+s0+$0xFFFF9CD0 ss:$0x1], $0xffff  }
0x10d: {  	v4 =	vld.idx.msk [tilespmem:v0+s0+$0xFFFF9D50 ss:$0x1], $0xffff  }
0x10e: {  	[tilespmem:s3+$0x1D0] =	vst.add.f32.msk $0xffff, v1  }
0x10f: {  	[tilespmem:s3+$0x50] =	vst.add.f32.msk $0xffff, v2  }
0x110: {  	v1 =	vld.idx.msk [tilespmem:v0+s0+$0xFFFF9DE0 ss:$0x1], $0xffff  }
0x111: {  	[tilespmem:s3+$0xD0] =	vst.add.f32.msk $0xffff, v3  }
0x112: {  	[tilespmem:s3+$0x150] =	vst.add.f32.msk $0xffff, v4  }
0x113: {  	v2 =	vld.idx.msk [tilespmem:v0+s0+$0xFFFF9C60 ss:$0x1], $0xffff  }
0x114: {  	v5 =	vld.idx.msk [tilespmem:v0+s0+$0xFFFF9CE0 ss:$0x1], $0xffff  }
0x115: {  	[tilespmem:s3+$0x1E0] =	vst.add.f32.msk $0xffff, v1  }
0x116: {  	s4 =	sadd.s32 $0x4, s30;
	v1 =	vld.idx.msk [tilespmem:v0+s0+$0xFFFF9DF0 ss:$0x1], $0xffff  }
0x117: {  	p0 =	slt.u32 s4, $0x7C;
	v3 =	vld.idx.msk [tilespmem:v0+s0+$0xFFFF9D60 ss:$0x1], $0xffff  }
.Ltmp7:
0x118: {  	[tilespmem:s3+$0x60] =	vst.add.f32.msk $0xffff, v2;
	(pc) =	sbr.rel @!p0 .LBB2_7-.Ltmp7, $4  }
0x119: {  	[tilespmem:s3+$0xE0] =	vst.add.f32.msk $0xffff, v5  }
0x11a: {  	v2 =	vld.idx.msk [tilespmem:v0+s0+$0xFFFF9C70 ss:$0x1], $0xffff  }
0x11b: {  	[tilespmem:s3+$0x1F0] =	vst.add.f32.msk $0xffff, v1  }
0x11c: {  	s12 =	simm.s32 $0x800;
	v1 =	vld.idx.msk [tilespmem:v0+s0+$0xFFFF9CF0 ss:$0x1], $0xffff  }
.LBB2_6:
0x11d: {  	s9 =	sshra.s32 s12, $0x2;
	s4 =	sadd.s32 $0x4, s4;
	[tilespmem:s3+$0x160] =	vst.add.f32.msk $0xffff, v3  }
0x11e: {  	v3 =	vld.idx.msk [tilespmem:v0+s9+$0xFFFF9D80 ss:$0x1], $0xffff;
	p0 =	slt.u32 s4, $0x7C  }
0x11f: {  	v4 =	vld.idx.msk [tilespmem:v0+s9+$0xFFFF9C00 ss:$0x1], $0xffff  }
0x120: {  	v5 =	vld.idx.msk [tilespmem:v0+s9+$0xFFFF9C80 ss:$0x1], $0xffff  }
0x121: {  	v6 =	vld.idx.msk [tilespmem:v0+s9+$0xFFFF9D00 ss:$0x1], $0xffff  }
0x122: {  	v7 =	vld.idx.msk [tilespmem:v0+s0+$0xFFFF9D70 ss:$0x1], $0xffff;
	s0 =	smov.u32 s9  }
0x123: {  	s9 =	sadd.s32 s0, s28;
	[tilespmem:s3+$0x70] =	vst.add.f32.msk $0xffff, v2  }
0x124: {  	[tilespmem:s9+$0x180] =	vst.add.f32.msk $0xffff, v3  }
0x125: {  	v2 =	vld.idx.msk [tilespmem:v0+s0+$0xFFFF9D90 ss:$0x1], $0xffff  }
0x126: {  	[tilespmem:s9+$0x0] =	vst.add.f32.msk $0xffff, v4  }
0x127: {  	[tilespmem:s9+$0x80] =	vst.add.f32.msk $0xffff, v5  }
0x128: {  	[tilespmem:s9+$0x100] =	vst.add.f32.msk $0xffff, v6  }
0x129: {  	v3 =	vld.idx.msk [tilespmem:v0+s0+$0xFFFF9C10 ss:$0x1], $0xffff  }
0x12a: {  	v4 =	vld.idx.msk [tilespmem:v0+s0+$0xFFFF9C90 ss:$0x1], $0xffff  }
0x12b: {  	[tilespmem:s9+$0x190] =	vst.add.f32.msk $0xffff, v2  }
0x12c: {  	v2 =	vld.idx.msk [tilespmem:v0+s0+$0xFFFF9DA0 ss:$0x1], $0xffff  }
0x12d: {  	v5 =	vld.idx.msk [tilespmem:v0+s0+$0xFFFF9D10 ss:$0x1], $0xffff  }
0x12e: {  	[tilespmem:s3+$0xF0] =	vst.add.f32.msk $0xffff, v1  }
0x12f: {  	[tilespmem:s9+$0x10] =	vst.add.f32.msk $0xffff, v3  }
0x130: {  	[tilespmem:s9+$0x90] =	vst.add.f32.msk $0xffff, v4  }
0x131: {  	v1 =	vld.idx.msk [tilespmem:v0+s0+$0xFFFF9C20 ss:$0x1], $0xffff  }
0x132: {  	[tilespmem:s9+$0x1A0] =	vst.add.f32.msk $0xffff, v2  }
0x133: {  	v2 =	vld.idx.msk [tilespmem:v0+s0+$0xFFFF9DB0 ss:$0x1], $0xffff  }
0x134: {  	[tilespmem:s9+$0x110] =	vst.add.f32.msk $0xffff, v5  }
0x135: {  	v3 =	vld.idx.msk [tilespmem:v0+s0+$0xFFFF9CA0 ss:$0x1], $0xffff  }
0x136: {  	v4 =	vld.idx.msk [tilespmem:v0+s0+$0xFFFF9D20 ss:$0x1], $0xffff  }
0x137: {  	[tilespmem:s9+$0x20] =	vst.add.f32.msk $0xffff, v1  }
0x138: {  	v1 =	vld.idx.msk [tilespmem:v0+s0+$0xFFFF9C30 ss:$0x1], $0xffff  }
0x139: {  	[tilespmem:s9+$0x1B0] =	vst.add.f32.msk $0xffff, v2  }
0x13a: {  	v2 =	vld.idx.msk [tilespmem:v0+s0+$0xFFFF9DC0 ss:$0x1], $0xffff  }
0x13b: {  	[tilespmem:s9+$0xA0] =	vst.add.f32.msk $0xffff, v3  }
0x13c: {  	[tilespmem:s9+$0x120] =	vst.add.f32.msk $0xffff, v4  }
0x13d: {  	v3 =	vld.idx.msk [tilespmem:v0+s0+$0xFFFF9CB0 ss:$0x1], $0xffff  }
0x13e: {  	v4 =	vld.idx.msk [tilespmem:v0+s0+$0xFFFF9D30 ss:$0x1], $0xffff  }
0x13f: {  	[tilespmem:s9+$0x30] =	vst.add.f32.msk $0xffff, v1  }
0x140: {  	[tilespmem:s9+$0x1C0] =	vst.add.f32.msk $0xffff, v2  }
0x141: {  	v1 =	vld.idx.msk [tilespmem:v0+s0+$0xFFFF9DD0 ss:$0x1], $0xffff  }
0x142: {  	v2 =	vld.idx.msk [tilespmem:v0+s0+$0xFFFF9C40 ss:$0x1], $0xffff  }
0x143: {  	[tilespmem:s9+$0xB0] =	vst.add.f32.msk $0xffff, v3  }
0x144: {  	[tilespmem:s9+$0x130] =	vst.add.f32.msk $0xffff, v4  }
0x145: {  	v3 =	vld.idx.msk [tilespmem:v0+s0+$0xFFFF9CC0 ss:$0x1], $0xffff  }
0x146: {  	v4 =	vld.idx.msk [tilespmem:v0+s0+$0xFFFF9D40 ss:$0x1], $0xffff  }
0x147: {  	[tilespmem:s9+$0x1D0] =	vst.add.f32.msk $0xffff, v1  }
0x148: {  	v1 =	vld.idx.msk [tilespmem:v0+s0+$0xFFFF9DE0 ss:$0x1], $0xffff  }
0x149: {  	[tilespmem:s9+$0x40] =	vst.add.f32.msk $0xffff, v2  }
0x14a: {  	v2 =	vld.idx.msk [tilespmem:v0+s0+$0xFFFF9C50 ss:$0x1], $0xffff  }
0x14b: {  	[tilespmem:s9+$0xC0] =	vst.add.f32.msk $0xffff, v3  }
0x14c: {  	[tilespmem:s9+$0x140] =	vst.add.f32.msk $0xffff, v4  }
0x14d: {  	v3 =	vld.idx.msk [tilespmem:v0+s0+$0xFFFF9CD0 ss:$0x1], $0xffff  }
0x14e: {  	[tilespmem:s9+$0x1E0] =	vst.add.f32.msk $0xffff, v1  }
0x14f: {  	v1 =	vld.idx.msk [tilespmem:v0+s0+$0xFFFF9DF0 ss:$0x1], $0xffff  }
0x150: {  	v4 =	vld.idx.msk [tilespmem:v0+s0+$0xFFFF9D50 ss:$0x1], $0xffff  }
0x151: {  	[tilespmem:s9+$0x50] =	vst.add.f32.msk $0xffff, v2  }
0x152: {  	v2 =	vld.idx.msk [tilespmem:v0+s0+$0xFFFF9C60 ss:$0x1], $0xffff  }
0x153: {  	[tilespmem:s9+$0xD0] =	vst.add.f32.msk $0xffff, v3  }
0x154: {  	v5 =	vld.idx.msk [tilespmem:v0+s0+$0xFFFF9CE0 ss:$0x1], $0xffff  }
0x155: {  	[tilespmem:s9+$0x1F0] =	vst.add.f32.msk $0xffff, v1  }
0x156: {  	[tilespmem:s9+$0x150] =	vst.add.f32.msk $0xffff, v4  }
0x157: {  	v3 =	vld.idx.msk [tilespmem:v0+s0+$0xFFFF9D60 ss:$0x1], $0xffff  }
.Ltmp8:
0x158: {  	[tilespmem:s9+$0x60] =	vst.add.f32.msk $0xffff, v2;
	(pc) =	sbr.rel @p0 .LBB2_6-.Ltmp8, $4  }
0x159: {  	v2 =	vld.idx.msk [tilespmem:v0+s0+$0xFFFF9C70 ss:$0x1], $0xffff  }
0x15a: {  	[tilespmem:s9+$0xE0] =	vst.add.f32.msk $0xffff, v5  }
0x15b: {  	v1 =	vld.idx.msk [tilespmem:v0+s0+$0xFFFF9CF0 ss:$0x1], $0xffff  }
0x15c: {  	s12 =	sadd.s32 $0x800, s12;
	[tilespmem:s3+$0x170] =	vst.add.f32.msk $0xffff, v7;
	s3 =	smov.u32 s9  }
.Ltmp9:
0x15d: {  	_ = 	snop;
	(pc) =	sbr.rel .LBB2_7-.Ltmp9, $1  }
0x15e: {  	_ =	sdelay $0x3  }
.LBB2_10:
0x15f: {  	_ =	sfence.sel $0x180000  }
0x160: {  	[bflag:$0x0] =	sbarrier.arrive $0xFFFF  }
0x161: {  	_ =	strace $0x90000047  }
0x162: {  	s0 =	stileid.u32;
	[bflag:$0x2] =	sbarrier.arrive $0xFFFF  }
0x163: {  	p0 =	sne.s32 s0, $0x0;
	s0 =	rddreg [dreg:$0x4]  }
0x164: {  	s0 =	sadd.s32 @!p0 $0x100000, s0  }
0x165: {  	[sflag:s0] =	ssyncadd.tile.s32 @!p0 $0x1;
	_ =	shalt  }
.Lfunc_end2:
_tile_overlayer_lowered:
.L_overlay_start_2:
0x166: {  	(tag) =	ssettag $0x2  }
0x167: {  	s0 =	rddreg [dreg:$0x0];
	s2 =	stileid.u32  }
0x168: {  	s1 =	rddreg [dreg:$0x1];
	p0 =	sne.s32 s2, $0x0  }
0x169: {  	s3 =	rddreg [dreg:$0x2];
	[bflag:$0x3] =	sbarrier.arrive $0xFFFF;
	s2 =	simm.s32 @!p0 $0x1C04  }
0x16a: {  	[timem:s3], [sflag:s2] =	dma.local @!p0 [hbm:s0], s1  }
0x16b: {  	s0 =	simm.s32 @!p0 $0x4  }
0x16c: {  	_ =	swait.ge @!p0 [sflag:s0], s1  }
0x16d: {  	s1 =	ssub.s32 @!p0 $0x0, s1;
	[sflag:s0] =	ssyncset.done @!p0 $0x0  }
0x16e: {  	[sflag:s0] =	ssyncadd.s32 @!p0 s1  }
0x16f: {  	[bflag:$0x3] =	sbarrier.arrive $0xFFFF  }
0x170: {  	_ =	shalt  }

</sc_bundles>
